<compile_context>
chip_gen: v7x
topology: tpu7x:2x2x1
jax: 0.10.2.dev20260603
libtpu: 0.0.44.dev20260713+nightly
codegen_flags: <defaults>
</compile_context>

<pallas_src>
import functools

import jax
import jax.numpy as jnp
from jax import lax
from jax.experimental import pallas as pl
from jax.experimental.pallas import tpu as pltpu
from jax.experimental.pallas import tpu_sc as plsc

_B = 1024
_E = 1024
_KD = 256
_M = 8192
_L = 8
_K = 8
_RB = 128
_NW = 32
_QPW = _B // _NW


def _topk_body(x_ref, w_ref, keys_ref, idx_ref, wts_ref, kn_ref):
    @pl.when(pl.program_id(0) == 0)
    def _():
        k = keys_ref[...]
        ks = jnp.sum(k * k, axis=1, keepdims=True)
        kn_ref[...] = k / jnp.maximum(jnp.sqrt(ks), 1e-12)

    x = x_ref[...]
    xw = lax.dot_general(x, w_ref[...], (((1,), (1,)), ((), ())),
                         preferred_element_type=jnp.float32)
    xs = jnp.sum(xw * xw, axis=1, keepdims=True)
    xn = xw / jnp.maximum(jnp.sqrt(xs), 1e-12)
    sim = lax.dot_general(xn, kn_ref[...], (((1,), (1,)), ((), ())),
                          preferred_element_type=jnp.float32)

    iota = lax.broadcasted_iota(jnp.int32, sim.shape, 1)
    scores = sim
    vals = []
    idxs = []
    for _ in range(_K):
        mx = jnp.max(scores, axis=1, keepdims=True)
        ix = jnp.min(jnp.where(scores == mx, iota, jnp.int32(_M)),
                     axis=1, keepdims=True)
        vals.append(mx)
        idxs.append(ix)
        scores = jnp.where(iota == ix, -jnp.inf, scores)
    tv = jnp.concatenate(vals, axis=1)
    ti = jnp.concatenate(idxs, axis=1)
    e = jnp.exp(tv - tv[:, :1])
    w = e / jnp.sum(e, axis=1, keepdims=True)
    idx_ref[...] = ti
    wts_ref[...] = w


def _topk_call(x_query, W, prompt_keys):
    return pl.pallas_call(
        _topk_body,
        grid=(_B // _RB,),
        in_specs=[
            pl.BlockSpec((_RB, _E), lambda i: (i, 0)),
            pl.BlockSpec((_KD, _E), lambda i: (0, 0)),
            pl.BlockSpec((_M, _KD), lambda i: (0, 0)),
        ],
        out_specs=[
            pl.BlockSpec((_RB, _K), lambda i: (i, 0)),
            pl.BlockSpec((_RB, _K), lambda i: (i, 0)),
        ],
        out_shape=[
            jax.ShapeDtypeStruct((_B, _K), jnp.int32),
            jax.ShapeDtypeStruct((_B, _K), jnp.float32),
        ],
        scratch_shapes=[pltpu.VMEM((_M, _KD), jnp.float32)],
    )(x_query, W, prompt_keys)


def _sc_combine_body(mem_ref, idx_ref, wts_ref, out_ref,
                     idx_v, w_v, rows_v, acc_v, sem):
    wid = lax.axis_index("s") * 2 + lax.axis_index("c")
    base = wid * _QPW
    pltpu.sync_copy(idx_ref.at[pl.ds(base * _K, _QPW * _K)], idx_v)
    pltpu.sync_copy(wts_ref.at[pl.ds(base * 16, _QPW * 16)], w_v)

    def per_query(q, carry):
        pltpu.async_copy(mem_ref.at[idx_v.at[pl.ds(q * _K, _K)]],
                         rows_v, sem).wait()
        wv = w_v[pl.ds(q * 16, 16)]
        ws = [wv[j] for j in range(_K)]

        def chunk(c, carry2):
            off = c * 16
            a = ws[0] * rows_v[0, pl.ds(off, 16)]
            for j in range(1, _K):
                a = a + ws[j] * rows_v[j, pl.ds(off, 16)]
            acc_v[pl.ds(off, 16)] = a
            return carry2

        lax.fori_loop(0, (_L * _E) // 16, chunk, 0)
        pltpu.sync_copy(acc_v, out_ref.at[base + q])
        return carry

    lax.fori_loop(0, _QPW, per_query, 0)


_sc_combine = functools.partial(
    pl.kernel,
    out_type=jax.ShapeDtypeStruct((_B, _L * _E), jnp.float32),
    mesh=plsc.VectorSubcoreMesh(core_axis_name="c", subcore_axis_name="s"),
    scratch_types=[
        pltpu.VMEM((_QPW * _K,), jnp.int32),
        pltpu.VMEM((_QPW * 16,), jnp.float32),
        pltpu.VMEM((_K, _L * _E), jnp.float32),
        pltpu.VMEM((_L * _E,), jnp.float32),
        pltpu.SemaphoreType.DMA,
    ],
)(_sc_combine_body)


def kernel(x_query, W, prompt_memory, prompt_keys):
    idx, wts = _topk_call(x_query, W, prompt_keys)
    mem_flat = prompt_memory.reshape(_M, _L * _E)
    idx_flat = idx.reshape(_B * _K)
    wts_pad = jnp.pad(wts, ((0, 0), (0, 16 - _K))).reshape(_B * 16)
    out = _sc_combine(mem_flat, idx_flat, wts_pad)
    return out.reshape(_B, _L, _E)

# --- scband reference (transcript-rebuilt; emitter-appended) ---
"""Pipeline reference for scband-prompt-memory-11802570130390 (READ-ONLY COPY).

The authoritative reference and input builder live on the scoring server;
editing this copy changes nothing except your own understanding.
"""

import jax, jax.numpy as jnp
import numpy as np

EMB_DIM = 1024
KEY_DIM = 256
MEM_SIZE = 8192
PROMPT_LEN = 8
TOP_K = 8
BATCH = 1024


def _normalize(v, axis=-1, eps=1e-12):
    n = jnp.linalg.norm(v, ord=2, axis=axis, keepdims=True)
    return v / jnp.maximum(n, eps)


def setup_inputs(seed: int = 0) -> dict:
    key = jax.random.key(seed)
    k1, k2, k3, k4 = jax.random.split(key, 4)
    x_query = jax.random.normal(k1, (BATCH, EMB_DIM), dtype=jnp.float32)
    # nn.Linear(emb_dim, key_dim, bias=False) weight: [key_dim, emb_dim]
    W = jax.random.normal(k2, (KEY_DIM, EMB_DIM), dtype=jnp.float32) * (1.0 / np.sqrt(EMB_DIM))
    prompt_memory = jax.random.normal(k3, (MEM_SIZE, PROMPT_LEN, EMB_DIM), dtype=jnp.float32) * 0.02
    prompt_keys = jax.random.normal(k4, (MEM_SIZE, KEY_DIM), dtype=jnp.float32) * 0.02
    return {"x_query": x_query, "W": W, "prompt_memory": prompt_memory, "prompt_keys": prompt_keys}


def reference(x_query, W, prompt_memory, prompt_keys):
    # key_dim != emb_dim -> projection
    x_proj = x_query @ W.T
    x_proj_norm = _normalize(x_proj, axis=-1)
    key_norm = _normalize(prompt_keys, axis=-1)
    similarity_scores = x_proj_norm @ key_norm.T  # [B, M]
    top_k = min(TOP_K, MEM_SIZE)
    top_k_scores, top_k_indices = jax.lax.top_k(similarity_scores, top_k)  # [B, k]
    selected_prompts = prompt_memory[top_k_indices]  # [B, k, L, D]
    selected_keys = prompt_keys[top_k_indices]  # [B, k, Kd]
    xq = x_proj_norm[:, None, :]  # [B, 1, Kd]
    selected_keys_norm = _normalize(selected_keys, axis=2)
    refined_scores = jnp.sum(xq * selected_keys_norm, axis=2)  # [B, k]
    weights = jax.nn.softmax(refined_scores, axis=1)
    weights = weights[:, :, None, None]
    prompt_output = jnp.sum(selected_prompts * weights, axis=1)  # [B, L, D]
    return prompt_output

if __name__ == "__main__":
    import jax
    _d = setup_inputs()
    print(jax.jit(kernel)(*tuple(_d.values())))

</pallas_src>

<mosaic_0001>
#map = affine_map<(d0, d1) -> (0, 0)>
#map1 = affine_map<(d0, d1) -> (0)>
module attributes {stable_mosaic.version = 14 : i64} {
  func.func @_sc_combine_body(%arg0: i32, %arg1: i32, %arg2: memref<8192x8192xf32, #tpu.memory_space<hbm>>, %arg3: memref<8192xi32, #tpu.memory_space<hbm>>, %arg4: memref<16384xf32, #tpu.memory_space<hbm>>, %arg5: memref<1024x8192xf32, #tpu.memory_space<hbm>>, %arg6: memref<256xi32, #tpu.memory_space<vmem>>, %arg7: memref<512xf32, #tpu.memory_space<vmem>>, %arg8: memref<8x8192xf32, #tpu.memory_space<vmem>>, %arg9: memref<8192xf32, #tpu.memory_space<vmem>>, %arg10: memref<!tpu.dma_semaphore, #tpu.memory_space<semaphore_mem>>) attributes {dimension_semantics = [#tpu.dimension_semantics<core_parallel>, #tpu.dimension_semantics<subcore_parallel>], iteration_bounds = array<i64: 2, 16>, scalar_prefetch = 0 : i64, scratch_operands = 5 : i64, tpu.core_type = #tpu.core_type<sc_vector_subcore>, window_params = [{transform_indices = #map}, {transform_indices = #map1}, {transform_indices = #map1}, {transform_indices = #map}]} {
    %mul3A = arith.constant 2 : i32
    %mul3A_0 = arith.muli %arg1, %mul3A : i32
    %add3A = arith.addi %mul3A_0, %arg0 : i32
    %mul3A_1 = arith.constant 32 : i32
    %mul3A_2 = arith.muli %add3A, %mul3A_1 : i32
    %mul3A_3 = arith.constant 8 : i32
    %mul3A_4 = arith.muli %mul3A_2, %mul3A_3 : i32
    "tpu.region"() ({
      %run_scoped3A = tpu.sem_alloc : memref<!tpu.dma_semaphore, #tpu.memory_space<semaphore_mem>>
      %dma_start3A = tpu.memref_slice %arg3[%mul3A_4] : memref<8192xi32, #tpu.memory_space<hbm>> -> memref<256xi32, #tpu.memory_space<hbm>>
      %dma_start3A_12 = tpu.memref_slice %arg3[%mul3A_4] : memref<8192xi32, #tpu.memory_space<hbm>> -> memref<256xi32, #tpu.memory_space<hbm>>
      tpu.enqueue_dma source(%dma_start3A_12 : memref<256xi32, #tpu.memory_space<hbm>>) target(%arg6 : memref<256xi32, #tpu.memory_space<vmem>>) target_semaphore(%run_scoped3A : memref<!tpu.dma_semaphore, #tpu.memory_space<semaphore_mem>>)
      %dma_wait3A = tpu.memref_slice %arg3[%mul3A_4] : memref<8192xi32, #tpu.memory_space<hbm>> -> memref<256xi32, #tpu.memory_space<hbm>>
      %dma_wait3A_13 = tpu.memref_slice %arg3[%mul3A_4] : memref<8192xi32, #tpu.memory_space<hbm>> -> memref<256xi32, #tpu.memory_space<hbm>>
      tpu.wait_dma2 semaphore(%run_scoped3A : memref<!tpu.dma_semaphore, #tpu.memory_space<semaphore_mem>>) src(%dma_wait3A_13 : memref<256xi32, #tpu.memory_space<hbm>>) dst(%arg6 : memref<256xi32, #tpu.memory_space<vmem>>)
      tpu.yield
    }) : () -> ()
    %mul3A_5 = arith.constant 16 : i32
    %mul3A_6 = arith.muli %mul3A_2, %mul3A_5 : i32
    "tpu.region"() ({
      %run_scoped3A = tpu.sem_alloc : memref<!tpu.dma_semaphore, #tpu.memory_space<semaphore_mem>>
      %dma_start3A = tpu.memref_slice %arg4[%mul3A_6] : memref<16384xf32, #tpu.memory_space<hbm>> -> memref<512xf32, #tpu.memory_space<hbm>>
      %dma_start3A_12 = tpu.memref_slice %arg4[%mul3A_6] : memref<16384xf32, #tpu.memory_space<hbm>> -> memref<512xf32, #tpu.memory_space<hbm>>
      tpu.enqueue_dma source(%dma_start3A_12 : memref<512xf32, #tpu.memory_space<hbm>>) target(%arg7 : memref<512xf32, #tpu.memory_space<vmem>>) target_semaphore(%run_scoped3A : memref<!tpu.dma_semaphore, #tpu.memory_space<semaphore_mem>>)
      %dma_wait3A = tpu.memref_slice %arg4[%mul3A_6] : memref<16384xf32, #tpu.memory_space<hbm>> -> memref<512xf32, #tpu.memory_space<hbm>>
      %dma_wait3A_13 = tpu.memref_slice %arg4[%mul3A_6] : memref<16384xf32, #tpu.memory_space<hbm>> -> memref<512xf32, #tpu.memory_space<hbm>>
      tpu.wait_dma2 semaphore(%run_scoped3A : memref<!tpu.dma_semaphore, #tpu.memory_space<semaphore_mem>>) src(%dma_wait3A_13 : memref<512xf32, #tpu.memory_space<hbm>>) dst(%arg7 : memref<512xf32, #tpu.memory_space<vmem>>)
      tpu.yield
    }) : () -> ()
    %scan3A = arith.constant 0 : i32
    %scan3A_7 = arith.constant 0 : i32
    %scan3A_8 = arith.constant 32 : i32
    %scan3A_9 = arith.addi %scan3A_7, %scan3A_8 : i32
    %scan3A_10 = arith.constant 1 : i32
    scf.for %scan3A_12 = %scan3A_7 to %scan3A_9 step %scan3A_10  : i32 {
      %mul3A_13 = arith.constant 8 : i32
      %mul3A_14 = arith.muli %scan3A_12, %mul3A_13 : i32
      %dma_start3A = tpu.memref_slice %arg6[%mul3A_14] : memref<256xi32, #tpu.memory_space<vmem>> -> memref<8xi32, #tpu.memory_space<vmem>>
      %dma_start3A_15 = arith.constant 0 : i32
      %dma_start3A_16 = arith.constant 0 : i32
      %dma_start3A_17 = tpu.memref_slice %arg2[%dma_start3A_15, %dma_start3A_16] : memref<8192x8192xf32, #tpu.memory_space<hbm>> -> memref<8192x8192xf32, #tpu.memory_space<hbm>>
      tpu.enqueue_indirect_dma source(%dma_start3A_17 : memref<8192x8192xf32, #tpu.memory_space<hbm>>) target(%arg8 : memref<8x8192xf32, #tpu.memory_space<vmem>>) offsets(%dma_start3A : memref<8xi32, #tpu.memory_space<vmem>>) semaphore(%arg10 : memref<!tpu.dma_semaphore, #tpu.memory_space<semaphore_mem>>)
      %dma_wait3A = tpu.memref_slice %arg6[%mul3A_14] : memref<256xi32, #tpu.memory_space<vmem>> -> memref<8xi32, #tpu.memory_space<vmem>>
      %dma_wait3A_18 = arith.constant 0 : i32
      %dma_wait3A_19 = arith.constant 0 : i32
      %dma_wait3A_20 = tpu.memref_slice %arg2[%dma_wait3A_18, %dma_wait3A_19] : memref<8192x8192xf32, #tpu.memory_space<hbm>> -> memref<8192x8192xf32, #tpu.memory_space<hbm>>
      tpu.wait_indirect_dma semaphore(%arg10 : memref<!tpu.dma_semaphore, #tpu.memory_space<semaphore_mem>>) src(%dma_wait3A_20 : memref<8192x8192xf32, #tpu.memory_space<hbm>>) dst(%arg8 : memref<8x8192xf32, #tpu.memory_space<vmem>>)
      %mul3A_21 = arith.constant 16 : i32
      %mul3A_22 = arith.muli %scan3A_12, %mul3A_21 : i32
      %get3A = arith.index_cast %mul3A_22 : i32 to index
      %get3A_23 = tpu.vector_load %arg7[%get3A] {strides = array<i32>} : memref<512xf32, #tpu.memory_space<vmem>>, vector<16xf32>,
      %get3A_24 = vector.shape_cast %get3A_23 : vector<16xf32> to vector<16xf32>
      %slice3A = vector.extract_strided_slice %get3A_24 {offsets = [0], sizes = [1], strides = [1]} : vector<16xf32> to vector<1xf32>
      %squeeze3A = vector.extract %slice3A[0] : f32 from vector<1xf32>
      %slice3A_25 = vector.extract_strided_slice %get3A_24 {offsets = [1], sizes = [1], strides = [1]} : vector<16xf32> to vector<1xf32>
      %squeeze3A_26 = vector.extract %slice3A_25[0] : f32 from vector<1xf32>
      %slice3A_27 = vector.extract_strided_slice %get3A_24 {offsets = [2], sizes = [1], strides = [1]} : vector<16xf32> to vector<1xf32>
      %squeeze3A_28 = vector.extract %slice3A_27[0] : f32 from vector<1xf32>
      %slice3A_29 = vector.extract_strided_slice %get3A_24 {offsets = [3], sizes = [1], strides = [1]} : vector<16xf32> to vector<1xf32>
      %squeeze3A_30 = vector.extract %slice3A_29[0] : f32 from vector<1xf32>
      %slice3A_31 = vector.extract_strided_slice %get3A_24 {offsets = [4], sizes = [1], strides = [1]} : vector<16xf32> to vector<1xf32>
      %squeeze3A_32 = vector.extract %slice3A_31[0] : f32 from vector<1xf32>
      %slice3A_33 = vector.extract_strided_slice %get3A_24 {offsets = [5], sizes = [1], strides = [1]} : vector<16xf32> to vector<1xf32>
      %squeeze3A_34 = vector.extract %slice3A_33[0] : f32 from vector<1xf32>
      %slice3A_35 = vector.extract_strided_slice %get3A_24 {offsets = [6], sizes = [1], strides = [1]} : vector<16xf32> to vector<1xf32>
      %squeeze3A_36 = vector.extract %slice3A_35[0] : f32 from vector<1xf32>
      %slice3A_37 = vector.extract_strided_slice %get3A_24 {offsets = [7], sizes = [1], strides = [1]} : vector<16xf32> to vector<1xf32>
      %squeeze3A_38 = vector.extract %slice3A_37[0] : f32 from vector<1xf32>
      %scan3A_39 = arith.constant 0 : i32
      %scan3A_40 = arith.constant 0 : i32
      %scan3A_41 = arith.constant 512 : i32
      %scan3A_42 = arith.addi %scan3A_40, %scan3A_41 : i32
      %scan3A_43 = arith.constant 1 : i32
      scf.for %scan3A_46 = %scan3A_40 to %scan3A_42 step %scan3A_43  : i32 {
        %mul3A_47 = arith.constant 16 : i32
        %mul3A_48 = arith.muli %scan3A_46, %mul3A_47 : i32
        %get3A_49 = arith.constant 0 : i32
        %get3A_50 = arith.index_cast %get3A_49 : i32 to index
        %get3A_51 = arith.index_cast %mul3A_48 : i32 to index
        %get3A_52 = tpu.vector_load %arg8[%get3A_50, %get3A_51] {strides = array<i32>} : memref<8x8192xf32, #tpu.memory_space<vmem>>, vector<1x16xf32>,
        %get3A_53 = vector.shape_cast %get3A_52 : vector<1x16xf32> to vector<16xf32>
        %mul3A_54 = vector.broadcast %squeeze3A : f32 to vector<16xf32>
        %mul3A_55 = arith.mulf %mul3A_54, %get3A_53 : vector<16xf32>
        %get3A_56 = arith.constant 1 : i32
        %get3A_57 = arith.index_cast %get3A_56 : i32 to index
        %get3A_58 = arith.index_cast %mul3A_48 : i32 to index
        %get3A_59 = tpu.vector_load %arg8[%get3A_57, %get3A_58] {strides = array<i32>} : memref<8x8192xf32, #tpu.memory_space<vmem>>, vector<1x16xf32>,
        %get3A_60 = vector.shape_cast %get3A_59 : vector<1x16xf32> to vector<16xf32>
        %mul3A_61 = vector.broadcast %squeeze3A_26 : f32 to vector<16xf32>
        %mul3A_62 = arith.mulf %mul3A_61, %get3A_60 : vector<16xf32>
        %add3A_63 = arith.addf %mul3A_55, %mul3A_62 : vector<16xf32>
        %get3A_64 = arith.constant 2 : i32
        %get3A_65 = arith.index_cast %get3A_64 : i32 to index
        %get3A_66 = arith.index_cast %mul3A_48 : i32 to index
        %get3A_67 = tpu.vector_load %arg8[%get3A_65, %get3A_66] {strides = array<i32>} : memref<8x8192xf32, #tpu.memory_space<vmem>>, vector<1x16xf32>,
        %get3A_68 = vector.shape_cast %get3A_67 : vector<1x16xf32> to vector<16xf32>
        %mul3A_69 = vector.broadcast %squeeze3A_28 : f32 to vector<16xf32>
        %mul3A_70 = arith.mulf %mul3A_69, %get3A_68 : vector<16xf32>
        %add3A_71 = arith.addf %add3A_63, %mul3A_70 : vector<16xf32>
        %get3A_72 = arith.constant 3 : i32
        %get3A_73 = arith.index_cast %get3A_72 : i32 to index
        %get3A_74 = arith.index_cast %mul3A_48 : i32 to index
        %get3A_75 = tpu.vector_load %arg8[%get3A_73, %get3A_74] {strides = array<i32>} : memref<8x8192xf32, #tpu.memory_space<vmem>>, vector<1x16xf32>,
        %get3A_76 = vector.shape_cast %get3A_75 : vector<1x16xf32> to vector<16xf32>
        %mul3A_77 = vector.broadcast %squeeze3A_30 : f32 to vector<16xf32>
        %mul3A_78 = arith.mulf %mul3A_77, %get3A_76 : vector<16xf32>
        %add3A_79 = arith.addf %add3A_71, %mul3A_78 : vector<16xf32>
        %get3A_80 = arith.constant 4 : i32
        %get3A_81 = arith.index_cast %get3A_80 : i32 to index
        %get3A_82 = arith.index_cast %mul3A_48 : i32 to index
        %get3A_83 = tpu.vector_load %arg8[%get3A_81, %get3A_82] {strides = array<i32>} : memref<8x8192xf32, #tpu.memory_space<vmem>>, vector<1x16xf32>,
        %get3A_84 = vector.shape_cast %get3A_83 : vector<1x16xf32> to vector<16xf32>
        %mul3A_85 = vector.broadcast %squeeze3A_32 : f32 to vector<16xf32>
        %mul3A_86 = arith.mulf %mul3A_85, %get3A_84 : vector<16xf32>
        %add3A_87 = arith.addf %add3A_79, %mul3A_86 : vector<16xf32>
        %get3A_88 = arith.constant 5 : i32
        %get3A_89 = arith.index_cast %get3A_88 : i32 to index
        %get3A_90 = arith.index_cast %mul3A_48 : i32 to index
        %get3A_91 = tpu.vector_load %arg8[%get3A_89, %get3A_90] {strides = array<i32>} : memref<8x8192xf32, #tpu.memory_space<vmem>>, vector<1x16xf32>,
        %get3A_92 = vector.shape_cast %get3A_91 : vector<1x16xf32> to vector<16xf32>
        %mul3A_93 = vector.broadcast %squeeze3A_34 : f32 to vector<16xf32>
        %mul3A_94 = arith.mulf %mul3A_93, %get3A_92 : vector<16xf32>
        %add3A_95 = arith.addf %add3A_87, %mul3A_94 : vector<16xf32>
        %get3A_96 = arith.constant 6 : i32
        %get3A_97 = arith.index_cast %get3A_96 : i32 to index
        %get3A_98 = arith.index_cast %mul3A_48 : i32 to index
        %get3A_99 = tpu.vector_load %arg8[%get3A_97, %get3A_98] {strides = array<i32>} : memref<8x8192xf32, #tpu.memory_space<vmem>>, vector<1x16xf32>,
        %get3A_100 = vector.shape_cast %get3A_99 : vector<1x16xf32> to vector<16xf32>
        %mul3A_101 = vector.broadcast %squeeze3A_36 : f32 to vector<16xf32>
        %mul3A_102 = arith.mulf %mul3A_101, %get3A_100 : vector<16xf32>
        %add3A_103 = arith.addf %add3A_95, %mul3A_102 : vector<16xf32>
        %get3A_104 = arith.constant 7 : i32
        %get3A_105 = arith.index_cast %get3A_104 : i32 to index
        %get3A_106 = arith.index_cast %mul3A_48 : i32 to index
        %get3A_107 = tpu.vector_load %arg8[%get3A_105, %get3A_106] {strides = array<i32>} : memref<8x8192xf32, #tpu.memory_space<vmem>>, vector<1x16xf32>,
        %get3A_108 = vector.shape_cast %get3A_107 : vector<1x16xf32> to vector<16xf32>
        %mul3A_109 = vector.broadcast %squeeze3A_38 : f32 to vector<16xf32>
        %mul3A_110 = arith.mulf %mul3A_109, %get3A_108 : vector<16xf32>
        %add3A_111 = arith.addf %add3A_103, %mul3A_110 : vector<16xf32>
        %swap3A = arith.index_cast %mul3A_48 : i32 to index
        %swap3A_112 = tpu.vector_load %arg9[%swap3A] {strides = array<i32>} : memref<8192xf32, #tpu.memory_space<vmem>>, vector<16xf32>,
        %swap3A_113 = vector.shape_cast %swap3A_112 : vector<16xf32> to vector<16xf32>
        %swap3A_114 = vector.shape_cast %add3A_111 : vector<16xf32> to vector<16xf32>
        tpu.vector_store %arg9[%swap3A], %swap3A_114 {strides = array<i32>} : memref<8192xf32, #tpu.memory_space<vmem>>, vector<16xf32>,
      }
      %scan3A_44 = arith.constant 512 : i32
      %add3A_45 = arith.addi %mul3A_2, %scan3A_12 : i32
      "tpu.region"() ({
        %run_scoped3A = tpu.sem_alloc : memref<!tpu.dma_semaphore, #tpu.memory_space<semaphore_mem>>
        %dma_start3A_46 = arith.constant 0 : i32
        %dma_start3A_47 = tpu.memref_slice %arg5[%add3A_45, %dma_start3A_46] : memref<1024x8192xf32, #tpu.memory_space<hbm>> -> memref<1x8192xf32, #tpu.memory_space<hbm>>
        %dma_start3A_48 = tpu.memref_squeeze %dma_start3A_47 : memref<1x8192xf32, #tpu.memory_space<hbm>> -> memref<8192xf32, #tpu.memory_space<hbm>>
        %dma_start3A_49 = arith.constant 0 : i32
        %dma_start3A_50 = tpu.memref_slice %arg5[%add3A_45, %dma_start3A_49] : memref<1024x8192xf32, #tpu.memory_space<hbm>> -> memref<1x8192xf32, #tpu.memory_space<hbm>>
        %dma_start3A_51 = tpu.memref_squeeze %dma_start3A_50 : memref<1x8192xf32, #tpu.memory_space<hbm>> -> memref<8192xf32, #tpu.memory_space<hbm>>
        tpu.enqueue_dma source(%arg9 : memref<8192xf32, #tpu.memory_space<vmem>>) target(%dma_start3A_51 : memref<8192xf32, #tpu.memory_space<hbm>>) target_semaphore(%run_scoped3A : memref<!tpu.dma_semaphore, #tpu.memory_space<semaphore_mem>>)
        %dma_wait3A_52 = arith.constant 0 : i32
        %dma_wait3A_53 = tpu.memref_slice %arg5[%add3A_45, %dma_wait3A_52] : memref<1024x8192xf32, #tpu.memory_space<hbm>> -> memref<1x8192xf32, #tpu.memory_space<hbm>>
        %dma_wait3A_54 = tpu.memref_squeeze %dma_wait3A_53 : memref<1x8192xf32, #tpu.memory_space<hbm>> -> memref<8192xf32, #tpu.memory_space<hbm>>
        %dma_wait3A_55 = arith.constant 0 : i32
        %dma_wait3A_56 = tpu.memref_slice %arg5[%add3A_45, %dma_wait3A_55] : memref<1024x8192xf32, #tpu.memory_space<hbm>> -> memref<1x8192xf32, #tpu.memory_space<hbm>>
        %dma_wait3A_57 = tpu.memref_squeeze %dma_wait3A_56 : memref<1x8192xf32, #tpu.memory_space<hbm>> -> memref<8192xf32, #tpu.memory_space<hbm>>
        tpu.wait_dma2 semaphore(%run_scoped3A : memref<!tpu.dma_semaphore, #tpu.memory_space<semaphore_mem>>) src(%arg9 : memref<8192xf32, #tpu.memory_space<vmem>>) dst(%dma_wait3A_57 : memref<8192xf32, #tpu.memory_space<hbm>>)
        tpu.yield
      }) : () -> ()
    }
    %scan3A_11 = arith.constant 32 : i32
    return
  }
}

module attributes {stable_mosaic.version = 14 : i64} {
  func.func @_topk_body(%arg0: i32, %arg1: memref<128x1024xf32, #tpu.memory_space<vmem>>, %arg2: memref<256x1024xf32, #tpu.memory_space<vmem>>, %arg3: memref<8192x256xf32, #tpu.memory_space<vmem>>, %arg4: memref<128x8xi32, #tpu.memory_space<vmem>>, %arg5: memref<128x8xf32, #tpu.memory_space<vmem>>, %arg6: memref<8192x256xf32, #tpu.memory_space<vmem>>) attributes {dimension_semantics = [#tpu.dimension_semantics<arbitrary>], iteration_bounds = array<i64: 8>, scalar_prefetch = 0 : i64, scratch_operands = 1 : i64, tpu.core_type = #tpu.core_type<tc>, window_params = [{transform_indices = @transform_0, window_bounds = array<i64: 128, 1024>}, {pipeline_mode = #tpu.pipeline_mode<synchronous>, transform_indices = @transform_1, window_bounds = array<i64: 256, 1024>}, {pipeline_mode = #tpu.pipeline_mode<synchronous>, transform_indices = @transform_2, window_bounds = array<i64: 8192, 256>}, {transform_indices = @transform_3, window_bounds = array<i64: 128, 8>}, {transform_indices = @transform_4, window_bounds = array<i64: 128, 8>}]} {
    %eq3A = arith.constant 0 : i32
    %eq3A_0 = arith.cmpi eq, %arg0, %eq3A : i32
    %convert_element_type3A = arith.extui %eq3A_0 : i1 to i32
    %cond3A = arith.constant 0 : i32
    %cond3A_1 = arith.cmpi ne, %convert_element_type3A, %cond3A : i32
    scf.if %cond3A_1 {
      %get3A_148 = arith.constant 0 : index
      %get3A_149 = arith.constant 0 : index
      %get3A_150 = vector.load %arg3[%get3A_148, %get3A_149] : memref<8192x256xf32, #tpu.memory_space<vmem>>, vector<8192x256xf32>
      %mul3A_151 = arith.mulf %get3A_150, %get3A_150 : vector<8192x256xf32>
      %reduce_sum3A_152 = arith.constant dense<0.000000e+00> : vector<8192xf32>
      %reduce_sum3A_153 = vector.multi_reduction <add>, %mul3A_151, %reduce_sum3A_152 [1] : vector<8192x256xf32> to vector<8192xf32>
      %broadcast_in_dim3A_154 = vector.shape_cast %reduce_sum3A_153 : vector<8192xf32> to vector<8192x1xf32>
      %sqrt3A_155 = math.sqrt %broadcast_in_dim3A_154 : vector<8192x1xf32>
      %max3A_156 = arith.constant 9.99999996E-13 : f32
      %max3A_157 = vector.broadcast %max3A_156 : f32 to vector<8192x1xf32>
      %max3A_158 = arith.maximumf %sqrt3A_155, %max3A_157 : vector<8192x1xf32>
      %div3A_159 = vector.broadcast %max3A_158 : vector<8192x1xf32> to vector<8192x256xf32>
      %div3A_160 = arith.divf %get3A_150, %div3A_159 : vector<8192x256xf32>
      %swap3A_161 = arith.constant 0 : index
      %swap3A_162 = arith.constant 0 : index
      %swap3A_163 = vector.load %arg6[%swap3A_161, %swap3A_162] : memref<8192x256xf32, #tpu.memory_space<vmem>>, vector<8192x256xf32>
      tpu.vector_store %arg6[%swap3A_161, %swap3A_162], %div3A_160 {strides = array<i32>} : memref<8192x256xf32, #tpu.memory_space<vmem>>, vector<8192x256xf32>,
    } else {
    }
    %get3A = arith.constant 0 : index
    %get3A_2 = arith.constant 0 : index
    %get3A_3 = vector.load %arg1[%get3A, %get3A_2] : memref<128x1024xf32, #tpu.memory_space<vmem>>, vector<128x1024xf32>
    %get3A_4 = arith.constant 0 : index
    %get3A_5 = arith.constant 0 : index
    %get3A_6 = vector.load %arg2[%get3A_4, %get3A_5] : memref<256x1024xf32, #tpu.memory_space<vmem>>, vector<256x1024xf32>
    %dot_general3A = arith.constant dense<0.000000e+00> : vector<128x256xf32>
    %dot_general3A_7 = tpu.matmul %get3A_3, %get3A_6, %dot_general3A {dimension_numbers = #tpu.dot_dimension_numbers<[1], [1], [0], [0], [0, 0, 1, 0], [], []>, transpose_lhs_hint = false} : vector<128x1024xf32>, vector<256x1024xf32>, vector<128x256xf32> -> vector<128x256xf32>
    %mul3A = arith.mulf %dot_general3A_7, %dot_general3A_7 : vector<128x256xf32>
    %reduce_sum3A = arith.constant dense<0.000000e+00> : vector<128xf32>
    %reduce_sum3A_8 = vector.multi_reduction <add>, %mul3A, %reduce_sum3A [1] : vector<128x256xf32> to vector<128xf32>
    %broadcast_in_dim3A = vector.shape_cast %reduce_sum3A_8 : vector<128xf32> to vector<128x1xf32>
    %sqrt3A = math.sqrt %broadcast_in_dim3A : vector<128x1xf32>
    %max3A = arith.constant 9.99999996E-13 : f32
    %max3A_9 = vector.broadcast %max3A : f32 to vector<128x1xf32>
    %max3A_10 = arith.maximumf %sqrt3A, %max3A_9 : vector<128x1xf32>
    %div3A = vector.broadcast %max3A_10 : vector<128x1xf32> to vector<128x256xf32>
    %div3A_11 = arith.divf %dot_general3A_7, %div3A : vector<128x256xf32>
    %get3A_12 = arith.constant 0 : index
    %get3A_13 = arith.constant 0 : index
    %get3A_14 = vector.load %arg6[%get3A_12, %get3A_13] : memref<8192x256xf32, #tpu.memory_space<vmem>>, vector<8192x256xf32>
    %dot_general3A_15 = arith.constant dense<0.000000e+00> : vector<128x8192xf32>
    %dot_general3A_16 = tpu.matmul %div3A_11, %get3A_14, %dot_general3A_15 {dimension_numbers = #tpu.dot_dimension_numbers<[1], [1], [0], [0], [0, 0, 1, 0], [], []>, transpose_lhs_hint = false} : vector<128x256xf32>, vector<8192x256xf32>, vector<128x8192xf32> -> vector<128x8192xf32>
    %iota3A = tpu.iota {dimensions = array<i32: 1>} : vector<128x8192xi32>
    %reduce_max3A = arith.constant dense<0xFF800000> : vector<128xf32>
    %reduce_max3A_17 = vector.multi_reduction <maximumf>, %dot_general3A_16, %reduce_max3A [1] : vector<128x8192xf32> to vector<128xf32>
    %broadcast_in_dim3A_18 = vector.shape_cast %reduce_max3A_17 : vector<128xf32> to vector<128x1xf32>
    %eq3A_19 = vector.broadcast %broadcast_in_dim3A_18 : vector<128x1xf32> to vector<128x8192xf32>
    %eq3A_20 = arith.cmpf oeq, %dot_general3A_16, %eq3A_19 : vector<128x8192xf32>
    %jit3A = arith.constant 8192 : i32
    %broadcast_in_dim3A_21 = vector.broadcast %jit3A : i32 to vector<128x8192xi32>
    %select_n3A = arith.select %eq3A_20, %iota3A, %broadcast_in_dim3A_21 : vector<128x8192xi1>, vector<128x8192xi32>
    %reduce_min3A = arith.constant dense<2147483647> : vector<128xi32>
    %reduce_min3A_22 = vector.multi_reduction <minsi>, %select_n3A, %reduce_min3A [1] : vector<128x8192xi32> to vector<128xi32>
    %broadcast_in_dim3A_23 = vector.shape_cast %reduce_min3A_22 : vector<128xi32> to vector<128x1xi32>
    %eq3A_24 = vector.broadcast %broadcast_in_dim3A_23 : vector<128x1xi32> to vector<128x8192xi32>
    %eq3A_25 = arith.cmpi eq, %iota3A, %eq3A_24 : vector<128x8192xi32>
    %jit3A_26 = arith.constant 0xFF800000 : f32
    %broadcast_in_dim3A_27 = vector.broadcast %jit3A_26 : f32 to vector<128x8192xf32>
    %select_n3A_28 = arith.select %eq3A_25, %broadcast_in_dim3A_27, %dot_general3A_16 : vector<128x8192xi1>, vector<128x8192xf32>
    %reduce_max3A_29 = arith.constant dense<0xFF800000> : vector<128xf32>
    %reduce_max3A_30 = vector.multi_reduction <maximumf>, %select_n3A_28, %reduce_max3A_29 [1] : vector<128x8192xf32> to vector<128xf32>
    %broadcast_in_dim3A_31 = vector.shape_cast %reduce_max3A_30 : vector<128xf32> to vector<128x1xf32>
    %eq3A_32 = vector.broadcast %broadcast_in_dim3A_31 : vector<128x1xf32> to vector<128x8192xf32>
    %eq3A_33 = arith.cmpf oeq, %select_n3A_28, %eq3A_32 : vector<128x8192xf32>
    %jit3A_34 = arith.constant 8192 : i32
    %broadcast_in_dim3A_35 = vector.broadcast %jit3A_34 : i32 to vector<128x8192xi32>
    %select_n3A_36 = arith.select %eq3A_33, %iota3A, %broadcast_in_dim3A_35 : vector<128x8192xi1>, vector<128x8192xi32>
    %reduce_min3A_37 = arith.constant dense<2147483647> : vector<128xi32>
    %reduce_min3A_38 = vector.multi_reduction <minsi>, %select_n3A_36, %reduce_min3A_37 [1] : vector<128x8192xi32> to vector<128xi32>
    %broadcast_in_dim3A_39 = vector.shape_cast %reduce_min3A_38 : vector<128xi32> to vector<128x1xi32>
    %eq3A_40 = vector.broadcast %broadcast_in_dim3A_39 : vector<128x1xi32> to vector<128x8192xi32>
    %eq3A_41 = arith.cmpi eq, %iota3A, %eq3A_40 : vector<128x8192xi32>
    %jit3A_42 = arith.constant 0xFF800000 : f32
    %broadcast_in_dim3A_43 = vector.broadcast %jit3A_42 : f32 to vector<128x8192xf32>
    %select_n3A_44 = arith.select %eq3A_41, %broadcast_in_dim3A_43, %select_n3A_28 : vector<128x8192xi1>, vector<128x8192xf32>
    %reduce_max3A_45 = arith.constant dense<0xFF800000> : vector<128xf32>
    %reduce_max3A_46 = vector.multi_reduction <maximumf>, %select_n3A_44, %reduce_max3A_45 [1] : vector<128x8192xf32> to vector<128xf32>
    %broadcast_in_dim3A_47 = vector.shape_cast %reduce_max3A_46 : vector<128xf32> to vector<128x1xf32>
    %eq3A_48 = vector.broadcast %broadcast_in_dim3A_47 : vector<128x1xf32> to vector<128x8192xf32>
    %eq3A_49 = arith.cmpf oeq, %select_n3A_44, %eq3A_48 : vector<128x8192xf32>
    %jit3A_50 = arith.constant 8192 : i32
    %broadcast_in_dim3A_51 = vector.broadcast %jit3A_50 : i32 to vector<128x8192xi32>
    %select_n3A_52 = arith.select %eq3A_49, %iota3A, %broadcast_in_dim3A_51 : vector<128x8192xi1>, vector<128x8192xi32>
    %reduce_min3A_53 = arith.constant dense<2147483647> : vector<128xi32>
    %reduce_min3A_54 = vector.multi_reduction <minsi>, %select_n3A_52, %reduce_min3A_53 [1] : vector<128x8192xi32> to vector<128xi32>
    %broadcast_in_dim3A_55 = vector.shape_cast %reduce_min3A_54 : vector<128xi32> to vector<128x1xi32>
    %eq3A_56 = vector.broadcast %broadcast_in_dim3A_55 : vector<128x1xi32> to vector<128x8192xi32>
    %eq3A_57 = arith.cmpi eq, %iota3A, %eq3A_56 : vector<128x8192xi32>
    %jit3A_58 = arith.constant 0xFF800000 : f32
    %broadcast_in_dim3A_59 = vector.broadcast %jit3A_58 : f32 to vector<128x8192xf32>
    %select_n3A_60 = arith.select %eq3A_57, %broadcast_in_dim3A_59, %select_n3A_44 : vector<128x8192xi1>, vector<128x8192xf32>
    %reduce_max3A_61 = arith.constant dense<0xFF800000> : vector<128xf32>
    %reduce_max3A_62 = vector.multi_reduction <maximumf>, %select_n3A_60, %reduce_max3A_61 [1] : vector<128x8192xf32> to vector<128xf32>
    %broadcast_in_dim3A_63 = vector.shape_cast %reduce_max3A_62 : vector<128xf32> to vector<128x1xf32>
    %eq3A_64 = vector.broadcast %broadcast_in_dim3A_63 : vector<128x1xf32> to vector<128x8192xf32>
    %eq3A_65 = arith.cmpf oeq, %select_n3A_60, %eq3A_64 : vector<128x8192xf32>
    %jit3A_66 = arith.constant 8192 : i32
    %broadcast_in_dim3A_67 = vector.broadcast %jit3A_66 : i32 to vector<128x8192xi32>
    %select_n3A_68 = arith.select %eq3A_65, %iota3A, %broadcast_in_dim3A_67 : vector<128x8192xi1>, vector<128x8192xi32>
    %reduce_min3A_69 = arith.constant dense<2147483647> : vector<128xi32>
    %reduce_min3A_70 = vector.multi_reduction <minsi>, %select_n3A_68, %reduce_min3A_69 [1] : vector<128x8192xi32> to vector<128xi32>
    %broadcast_in_dim3A_71 = vector.shape_cast %reduce_min3A_70 : vector<128xi32> to vector<128x1xi32>
    %eq3A_72 = vector.broadcast %broadcast_in_dim3A_71 : vector<128x1xi32> to vector<128x8192xi32>
    %eq3A_73 = arith.cmpi eq, %iota3A, %eq3A_72 : vector<128x8192xi32>
    %jit3A_74 = arith.constant 0xFF800000 : f32
    %broadcast_in_dim3A_75 = vector.broadcast %jit3A_74 : f32 to vector<128x8192xf32>
    %select_n3A_76 = arith.select %eq3A_73, %broadcast_in_dim3A_75, %select_n3A_60 : vector<128x8192xi1>, vector<128x8192xf32>
    %reduce_max3A_77 = arith.constant dense<0xFF800000> : vector<128xf32>
    %reduce_max3A_78 = vector.multi_reduction <maximumf>, %select_n3A_76, %reduce_max3A_77 [1] : vector<128x8192xf32> to vector<128xf32>
    %broadcast_in_dim3A_79 = vector.shape_cast %reduce_max3A_78 : vector<128xf32> to vector<128x1xf32>
    %eq3A_80 = vector.broadcast %broadcast_in_dim3A_79 : vector<128x1xf32> to vector<128x8192xf32>
    %eq3A_81 = arith.cmpf oeq, %select_n3A_76, %eq3A_80 : vector<128x8192xf32>
    %jit3A_82 = arith.constant 8192 : i32
    %broadcast_in_dim3A_83 = vector.broadcast %jit3A_82 : i32 to vector<128x8192xi32>
    %select_n3A_84 = arith.select %eq3A_81, %iota3A, %broadcast_in_dim3A_83 : vector<128x8192xi1>, vector<128x8192xi32>
    %reduce_min3A_85 = arith.constant dense<2147483647> : vector<128xi32>
    %reduce_min3A_86 = vector.multi_reduction <minsi>, %select_n3A_84, %reduce_min3A_85 [1] : vector<128x8192xi32> to vector<128xi32>
    %broadcast_in_dim3A_87 = vector.shape_cast %reduce_min3A_86 : vector<128xi32> to vector<128x1xi32>
    %eq3A_88 = vector.broadcast %broadcast_in_dim3A_87 : vector<128x1xi32> to vector<128x8192xi32>
    %eq3A_89 = arith.cmpi eq, %iota3A, %eq3A_88 : vector<128x8192xi32>
    %jit3A_90 = arith.constant 0xFF800000 : f32
    %broadcast_in_dim3A_91 = vector.broadcast %jit3A_90 : f32 to vector<128x8192xf32>
    %select_n3A_92 = arith.select %eq3A_89, %broadcast_in_dim3A_91, %select_n3A_76 : vector<128x8192xi1>, vector<128x8192xf32>
    %reduce_max3A_93 = arith.constant dense<0xFF800000> : vector<128xf32>
    %reduce_max3A_94 = vector.multi_reduction <maximumf>, %select_n3A_92, %reduce_max3A_93 [1] : vector<128x8192xf32> to vector<128xf32>
    %broadcast_in_dim3A_95 = vector.shape_cast %reduce_max3A_94 : vector<128xf32> to vector<128x1xf32>
    %eq3A_96 = vector.broadcast %broadcast_in_dim3A_95 : vector<128x1xf32> to vector<128x8192xf32>
    %eq3A_97 = arith.cmpf oeq, %select_n3A_92, %eq3A_96 : vector<128x8192xf32>
    %jit3A_98 = arith.constant 8192 : i32
    %broadcast_in_dim3A_99 = vector.broadcast %jit3A_98 : i32 to vector<128x8192xi32>
    %select_n3A_100 = arith.select %eq3A_97, %iota3A, %broadcast_in_dim3A_99 : vector<128x8192xi1>, vector<128x8192xi32>
    %reduce_min3A_101 = arith.constant dense<2147483647> : vector<128xi32>
    %reduce_min3A_102 = vector.multi_reduction <minsi>, %select_n3A_100, %reduce_min3A_101 [1] : vector<128x8192xi32> to vector<128xi32>
    %broadcast_in_dim3A_103 = vector.shape_cast %reduce_min3A_102 : vector<128xi32> to vector<128x1xi32>
    %eq3A_104 = vector.broadcast %broadcast_in_dim3A_103 : vector<128x1xi32> to vector<128x8192xi32>
    %eq3A_105 = arith.cmpi eq, %iota3A, %eq3A_104 : vector<128x8192xi32>
    %jit3A_106 = arith.constant 0xFF800000 : f32
    %broadcast_in_dim3A_107 = vector.broadcast %jit3A_106 : f32 to vector<128x8192xf32>
    %select_n3A_108 = arith.select %eq3A_105, %broadcast_in_dim3A_107, %select_n3A_92 : vector<128x8192xi1>, vector<128x8192xf32>
    %reduce_max3A_109 = arith.constant dense<0xFF800000> : vector<128xf32>
    %reduce_max3A_110 = vector.multi_reduction <maximumf>, %select_n3A_108, %reduce_max3A_109 [1] : vector<128x8192xf32> to vector<128xf32>
    %broadcast_in_dim3A_111 = vector.shape_cast %reduce_max3A_110 : vector<128xf32> to vector<128x1xf32>
    %eq3A_112 = vector.broadcast %broadcast_in_dim3A_111 : vector<128x1xf32> to vector<128x8192xf32>
    %eq3A_113 = arith.cmpf oeq, %select_n3A_108, %eq3A_112 : vector<128x8192xf32>
    %jit3A_114 = arith.constant 8192 : i32
    %broadcast_in_dim3A_115 = vector.broadcast %jit3A_114 : i32 to vector<128x8192xi32>
    %select_n3A_116 = arith.select %eq3A_113, %iota3A, %broadcast_in_dim3A_115 : vector<128x8192xi1>, vector<128x8192xi32>
    %reduce_min3A_117 = arith.constant dense<2147483647> : vector<128xi32>
    %reduce_min3A_118 = vector.multi_reduction <minsi>, %select_n3A_116, %reduce_min3A_117 [1] : vector<128x8192xi32> to vector<128xi32>
    %broadcast_in_dim3A_119 = vector.shape_cast %reduce_min3A_118 : vector<128xi32> to vector<128x1xi32>
    %eq3A_120 = vector.broadcast %broadcast_in_dim3A_119 : vector<128x1xi32> to vector<128x8192xi32>
    %eq3A_121 = arith.cmpi eq, %iota3A, %eq3A_120 : vector<128x8192xi32>
    %jit3A_122 = arith.constant 0xFF800000 : f32
    %broadcast_in_dim3A_123 = vector.broadcast %jit3A_122 : f32 to vector<128x8192xf32>
    %select_n3A_124 = arith.select %eq3A_121, %broadcast_in_dim3A_123, %select_n3A_108 : vector<128x8192xi1>, vector<128x8192xf32>
    %reduce_max3A_125 = arith.constant dense<0xFF800000> : vector<128xf32>
    %reduce_max3A_126 = vector.multi_reduction <maximumf>, %select_n3A_124, %reduce_max3A_125 [1] : vector<128x8192xf32> to vector<128xf32>
    %broadcast_in_dim3A_127 = vector.shape_cast %reduce_max3A_126 : vector<128xf32> to vector<128x1xf32>
    %eq3A_128 = vector.broadcast %broadcast_in_dim3A_127 : vector<128x1xf32> to vector<128x8192xf32>
    %eq3A_129 = arith.cmpf oeq, %select_n3A_124, %eq3A_128 : vector<128x8192xf32>
    %jit3A_130 = arith.constant 8192 : i32
    %broadcast_in_dim3A_131 = vector.broadcast %jit3A_130 : i32 to vector<128x8192xi32>
    %select_n3A_132 = arith.select %eq3A_129, %iota3A, %broadcast_in_dim3A_131 : vector<128x8192xi1>, vector<128x8192xi32>
    %reduce_min3A_133 = arith.constant dense<2147483647> : vector<128xi32>
    %reduce_min3A_134 = vector.multi_reduction <minsi>, %select_n3A_132, %reduce_min3A_133 [1] : vector<128x8192xi32> to vector<128xi32>
    %broadcast_in_dim3A_135 = vector.shape_cast %reduce_min3A_134 : vector<128xi32> to vector<128x1xi32>
    %concatenate3A = tpu.concatenate %broadcast_in_dim3A_18, %broadcast_in_dim3A_31, %broadcast_in_dim3A_47, %broadcast_in_dim3A_63, %broadcast_in_dim3A_79, %broadcast_in_dim3A_95, %broadcast_in_dim3A_111, %broadcast_in_dim3A_127 in 1 : vector<128x1xf32>, vector<128x1xf32>, vector<128x1xf32>, vector<128x1xf32>, vector<128x1xf32>, vector<128x1xf32>, vector<128x1xf32>, vector<128x1xf32> -> vector<128x8xf32>
    %concatenate3A_136 = tpu.concatenate %broadcast_in_dim3A_23, %broadcast_in_dim3A_39, %broadcast_in_dim3A_55, %broadcast_in_dim3A_71, %broadcast_in_dim3A_87, %broadcast_in_dim3A_103, %broadcast_in_dim3A_119, %broadcast_in_dim3A_135 in 1 : vector<128x1xi32>, vector<128x1xi32>, vector<128x1xi32>, vector<128x1xi32>, vector<128x1xi32>, vector<128x1xi32>, vector<128x1xi32>, vector<128x1xi32> -> vector<128x8xi32>
    %slice3A = vector.extract_strided_slice %concatenate3A {offsets = [0, 0], sizes = [128, 1], strides = [1, 1]} : vector<128x8xf32> to vector<128x1xf32>
    %sub3A = vector.broadcast %slice3A : vector<128x1xf32> to vector<128x8xf32>
    %sub3A_137 = arith.subf %concatenate3A, %sub3A : vector<128x8xf32>
    %exp3A = math.exp %sub3A_137 : vector<128x8xf32>
    %reduce_sum3A_138 = arith.constant dense<0.000000e+00> : vector<128xf32>
    %reduce_sum3A_139 = vector.multi_reduction <add>, %exp3A, %reduce_sum3A_138 [1] : vector<128x8xf32> to vector<128xf32>
    %broadcast_in_dim3A_140 = vector.shape_cast %reduce_sum3A_139 : vector<128xf32> to vector<128x1xf32>
    %div3A_141 = vector.broadcast %broadcast_in_dim3A_140 : vector<128x1xf32> to vector<128x8xf32>
    %div3A_142 = arith.divf %exp3A, %div3A_141 : vector<128x8xf32>
    %swap3A = arith.constant 0 : index
    %swap3A_143 = arith.constant 0 : index
    %swap3A_144 = vector.load %arg4[%swap3A, %swap3A_143] : memref<128x8xi32, #tpu.memory_space<vmem>>, vector<128x8xi32>
    tpu.vector_store %arg4[%swap3A, %swap3A_143], %concatenate3A_136 {strides = array<i32>} : memref<128x8xi32, #tpu.memory_space<vmem>>, vector<128x8xi32>,
    %swap3A_145 = arith.constant 0 : index
    %swap3A_146 = arith.constant 0 : index
    %swap3A_147 = vector.load %arg5[%swap3A_145, %swap3A_146] : memref<128x8xf32, #tpu.memory_space<vmem>>, vector<128x8xf32>
    tpu.vector_store %arg5[%swap3A_145, %swap3A_146], %div3A_142 {strides = array<i32>} : memref<128x8xf32, #tpu.memory_space<vmem>>, vector<128x8xf32>,
    return
  }
  func.func @transform_0(%arg0: i32) -> (i32, i32) {
    %c0_i32 = arith.constant 0 : i32
    %c0_i32_0 = arith.constant 0 : i32
    return %arg0, %c0_i32 : i32, i32
  }
  func.func @transform_1(%arg0: i32) -> (i32, i32) {
    %c0_i32 = arith.constant 0 : i32
    %c0_i32_0 = arith.constant 0 : i32
    %c0_i32_1 = arith.constant 0 : i32
    return %c0_i32, %c0_i32_0 : i32, i32
  }
  func.func @transform_2(%arg0: i32) -> (i32, i32) {
    %c0_i32 = arith.constant 0 : i32
    %c0_i32_0 = arith.constant 0 : i32
    %c0_i32_1 = arith.constant 0 : i32
    return %c0_i32, %c0_i32_0 : i32, i32
  }
  func.func @transform_3(%arg0: i32) -> (i32, i32) {
    %c0_i32 = arith.constant 0 : i32
    %c0_i32_0 = arith.constant 0 : i32
    return %arg0, %c0_i32 : i32, i32
  }
  func.func @transform_4(%arg0: i32) -> (i32, i32) {
    %c0_i32 = arith.constant 0 : i32
    %c0_i32_0 = arith.constant 0 : i32
    return %arg0, %c0_i32 : i32, i32
  }
}

</mosaic_0001>

<sc_bundles>
// kernel: kernel.4.cloned.1.call-start
scs
__scs_entry_jumppad:
0x0: {  	(pc) =	sbr.rel $0x88, $3  }
0x1: {  	(tag) =	ssettag $0x0;
	lr =	simm.s32 $0x1  }
0x2: {  	[smem:$0x3F9D] =	sst lr;
	_ =	strace $0xD0000000  }
0x3: {  	_ = 	snop  }
0x4: {  	_ = 	snop  }
0x5: {  	_ = 	snop  }
0x6: {  	_ = 	snop  }
0x7: {  	_ = 	snop  }
__scs_overlays_trampoline_lowered:
0x8: {  	[smem:$0x3FAC] =	sst s0  }
0x9: {  	[smem:$0x3FAD] =	sst s1  }
0xa: {  	[smem:$0x3FAE] =	sst s2  }
0xb: {  	[smem:$0x3FAF] =	sst s3  }
0xc: {  	[smem:$0x3FB0] =	sst s4  }
0xd: {  	[smem:$0x3FB1] =	sst s5  }
0xe: {  	[smem:$0x3FB2] =	sst s6  }
0xf: {  	[smem:$0x3FB3] =	sst s7  }
0x10: {  	[smem:$0x3FB4] =	sst s8  }
0x11: {  	[smem:$0x3FB5] =	sst s9;
	s0 =	simm.s32 @!p0 $0x0  }
0x12: {  	s1 =	sld [smem:$0x3F9B];
	s0 =	simm.s32 @p0 $0x1  }
0x13: {  	[smem:$0x3FB6] =	sst s0;
	s0 =	simm.s32 @!p1 $0x0  }
0x14: {  	s2 =	sld [smem:$0x3F9A];
	s0 =	simm.s32 @p1 $0x1  }
0x15: {  	[smem:$0x3FB7] =	sst s0;
	s0 =	simm.s32 @!p2 $0x0  }
0x16: {  	s3 =	sld [smem:$0x3FDB];
	s0 =	simm.s32 @p2 $0x1  }
0x17: {  	s4 =	simm.s32 $0x1BF5;
	[smem:$0x3FB9] =	sst s0  }
0x18: {  	s0 =	sld [smem:$0x3F9C];
	_ =	swait.ge [sflag:s4], $0x0  }
0x19: {  	s7 =	sld [smem:$0x3F9D]  }
0x1a: {  	s8 =	sadd.s32 $0xFFFFE003, lr  }
0x1b: {  	s9 =	sadd.s32 $0xFFFFFEF7, lr;
	s5 =	simm.s32 $0xFFFFFFFF;
	p2 =	slt.u32 s8, $0xFFFFF086  }
0x1c: {  	p1 =	slt.u32 s9, $0xF7A;
	s5 =	simm.s32 @!p2 $0x0  }
0x1d: {  	s5 =	simm.s32 @p1 $0x1;
	p0 =	seq.s32 s7, s2  }
0x1e: {  	s7 =	smul.u32 @!p0 $0xF7A, s2;
	p2 =	seq.s32 @!p0 s5, $0x0  }
0x1f: {  	s9 =	smul.u32 $0xF7A, s1;
	s8 =	simm.s32 @!p0 $0x1BF5;
	p2 =	por !p2, p0  }
0x20: {  	[sflag:s8] =	ssyncset.s32 @!p0 $0xFFFFF086;
	s6 =	sadd.s32 @!p0 s3, s7;
	s7 =	simm.s32 @!p0 $0x108  }
0x21: {  	s3 =	sadd.s32 s3, s9;
	s6 =	sadd.s32 @!p0 $0x88, s6;
	s7 =	simm.s32 @p2 $0x1082  }
0x22: {  	[simem:s7], [sflag:s8] =	dma.local @!p0 [hbm:s6], $0xF7A  }
0x23: {  	s9 =	sor.u32 $0xD0000000, s2;
	s6 =	simm.s32 $0x108;
	_ =	swait.ge @!p0 [sflag:s8], $0x0  }
0x24: {  	s3 =	sadd.s32 $0x88, s3;
	s6 =	simm.s32 @!p1 $0x1082;
	[sflag:s4] =	ssyncset.s32 $0xFFFFF086  }
0x25: {  	[simem:s6], [sflag:s4] =	dma.local [hbm:s3], $0xF7A  }
0x26: {  	[smem:$0x3F9D] =	sst s1;
	(tag) =	ssettag s2;
	_ =	strace s9  }
0x27: {  	s1 =	sld [smem:$0x3FAD]  }
0x28: {  	s2 =	sld [smem:$0x3FAE]  }
0x29: {  	s4 =	sld [smem:$0x3FB0]  }
0x2a: {  	p0 =	seq.s32 s5, $0x0;
	s5 =	sld [smem:$0x3FB1]  }
0x2b: {  	s6 =	sld [smem:$0x3FB2]  }
0x2c: {  	s7 =	sld [smem:$0x3FB3]  }
0x2d: {  	s3 =	simm.s32 $0x108;
	s8 =	sld [smem:$0x3FB4]  }
0x2e: {  	s3 =	simm.s32 @!p0 $0x1082;
	s9 =	sld [smem:$0x3FB5]  }
0x2f: {  	lr =	sadd.s32 s0, s3;
	s0 =	sld [smem:$0x3FAC]  }
0x30: {  	s3 =	sld [smem:$0x3FAF]  }
0x31: {  	[smem:$0x3FB8] =	sst s10  }
0x32: {  	s10 =	sld [smem:$0x3FB6];
	_ =	sdelay $0x3  }
0x33: {  	p0 =	seq.s32 s10, $0x1;
	s10 =	sld [smem:$0x3FB8];
	_ =	sdelay $0x3  }
0x34: {  	[smem:$0x3FB8] =	sst s10  }
0x35: {  	s10 =	sld [smem:$0x3FB7];
	_ =	sdelay $0x3  }
0x36: {  	p1 =	seq.s32 s10, $0x1;
	s10 =	sld [smem:$0x3FB8];
	_ =	sdelay $0x3  }
0x37: {  	[smem:$0x3FB8] =	sst s10  }
0x38: {  	s10 =	sld [smem:$0x3FB9]  }
0x39: {  	_ = 	snop;
	(pc) =	sbr.ind lr, $3  }
0x3a: {  	_ = 	snop  }
0x3b: {  	_ = 	snop  }
0x3c: {  	p2 =	seq.s32 s10, $0x1;
	s10 =	sld [smem:$0x3FB8]  }
0x3d: {  	_ =	shalt  }
0x3e: {  	_ =	shalt  }
0x3f: {  	_ =	shalt  }
0x40: {  	_ =	shalt  }
0x41: {  	_ =	shalt  }
0x42: {  	_ =	shalt  }
0x43: {  	_ =	shalt  }
0x44: {  	_ =	shalt  }
0x45: {  	_ =	shalt  }
0x46: {  	_ =	shalt  }
0x47: {  	_ =	shalt  }
0x48: {  	_ =	shalt  }
0x49: {  	_ =	shalt  }
0x4a: {  	_ =	shalt  }
0x4b: {  	_ =	shalt  }
0x4c: {  	_ =	shalt  }
0x4d: {  	_ =	shalt  }
0x4e: {  	_ =	shalt  }
0x4f: {  	_ =	shalt  }
0x50: {  	_ =	shalt  }
0x51: {  	_ =	shalt  }
0x52: {  	_ =	shalt  }
0x53: {  	_ =	shalt  }
0x54: {  	_ =	shalt  }
0x55: {  	_ =	shalt  }
0x56: {  	_ =	shalt  }
0x57: {  	_ =	shalt  }
0x58: {  	_ =	shalt  }
0x59: {  	_ =	shalt  }
0x5a: {  	_ =	shalt  }
0x5b: {  	_ =	shalt  }
0x5c: {  	_ =	shalt  }
0x5d: {  	_ =	shalt  }
0x5e: {  	_ =	shalt  }
0x5f: {  	_ =	shalt  }
0x60: {  	_ =	shalt  }
0x61: {  	_ =	shalt  }
0x62: {  	_ =	shalt  }
0x63: {  	_ =	shalt  }
0x64: {  	_ =	shalt  }
0x65: {  	_ =	shalt  }
0x66: {  	_ =	shalt  }
0x67: {  	_ =	shalt  }
0x68: {  	_ =	shalt  }
0x69: {  	_ =	shalt  }
0x6a: {  	_ =	shalt  }
0x6b: {  	_ =	shalt  }
0x6c: {  	_ =	shalt  }
0x6d: {  	_ =	shalt  }
0x6e: {  	_ =	shalt  }
0x6f: {  	_ =	shalt  }
0x70: {  	_ =	shalt  }
0x71: {  	_ =	shalt  }
0x72: {  	_ =	shalt  }
0x73: {  	_ =	shalt  }
0x74: {  	_ =	shalt  }
0x75: {  	_ =	shalt  }
0x76: {  	_ =	shalt  }
0x77: {  	_ =	shalt  }
0x78: {  	_ =	shalt  }
0x79: {  	_ =	shalt  }
0x7a: {  	_ =	shalt  }
0x7b: {  	_ =	shalt  }
0x7c: {  	_ =	shalt  }
0x7d: {  	_ =	shalt  }
0x7e: {  	_ =	shalt  }
0x7f: {  	_ =	shalt  }
0x80: {  	_ =	shalt  }
0x81: {  	_ =	shalt  }
0x82: {  	_ =	shalt  }
0x83: {  	_ =	shalt  }
0x84: {  	_ =	shalt  }
0x85: {  	_ =	shalt  }
0x86: {  	_ =	shalt  }
0x87: {  	_ =	shalt  }
.Lfunc_end0:
.L_simem_size_0:
called_computation.2_lowered:
.L_overlay_start_0:
0x88: {  	s2 =	sld [smem:$0x3FD9]  }
0x89: {  	s3 =	sld [smem:$0x3FFE];
	_ =	sdelay $0x1  }
0x8a: {  	s1 =	srdreg.scid  }
0x8b: {  	s0 =	sand.u32 $0x1, s1  }
0x8c: {  	s17 =	sshll.u32 s0, $0xA;
	s2 =	sadd.s32 s3, s2  }
0x8d: {  	s2 =	sadd.s32 s2, s17  }
0x8e: {  	[smem:$0x3FC4] =	sst s2  }
0x8f: {  	_ = 	snop  }
0x90: {  	s2 =	sld [smem:$0x3FD0];
	(tm) =	ssettm $0x1  }
0x91: {  	s18 =	sld [smem:$0x3FFB];
	_ =	sdelay $0x3  }
0x92: {  	_ =	strace s18  }
0x93: {  	s3 =	sld [smem:$0x3FFC];
	_ =	sdelay $0x3  }
0x94: {  	_ =	strace s3  }
0x95: {  	s3 =	sld [smem:$0x3FFD];
	_ =	sdelay $0x3  }
0x96: {  	_ =	strace s3  }
0x97: {  	_ =	strace $0x8FFFFFFF  }
0x98: {  	s19 =	sld [smem:$0x3FDB];
	_ =	sdelay $0x1  }
0x99: {  	s4 =	simm.s32 $_scs_section_size  }
0x9a: {  	s5 =	simm.s32 $_size__tile_overlayer_lowered;
	s6 =	simm.s32 $_tile_overlayer_lowered  }
0x9b: {  	s22 =	simm.s32 $0x1BFF;
	s21 =	sshll.u32 s6, $0x1;
	s3 =	sadd.s32 s4, s19  }
0x9c: {  	s7 =	simm.s32 $0x0;
	s20 =	sshll.u32 s5, $0x1;
	s5 =	sadd.s32 s21, s3  }
0x9d: {  	[timem:s7], [sflag:s22] =	dma.local [hbm:s5], s20  }
0x9e: {  	_ =	swait.ge [sflag:s22], s20  }
0x9f: {  	s4 =	ssub.s32 $0x0, s20;
	[sflag:s22] =	ssyncset.done $0x0  }
0xa0: {  	[sflag:s22] =	ssyncadd.s32 s4;
	_ =	sdelay $0x1  }
0xa1: {  	s23 =	simm.s32 $0x1B8B  }
0xa2: {  	_ =	swait.ge [sflag:s23], $0x1  }
0xa3: {  	[sflag:s23] =	ssyncset.done $0x0  }
0xa4: {  	s25 =	simm.s32 $0x1B8E;
	s24 =	sld [smem:$0x3FFE];
	[sflag:s23] =	ssyncadd.s32 $0xFFFFFFFF  }
0xa5: {  	s26 =	simm.s32 $execute0_lowered;
	[smem:$0x3FD2] =	sst s25  }
0xa6: {  	s5 =	sshll.u32 s26, $0x1;
	_ =	strace $0x80000049;
	[dreg:$0x1] =	wrdreg $0xFFFFFFFF  }
0xa7: {  	s28 =	simm.s32 $_size_execute0_lowered;
	s3 =	sadd.s32 s3, s5;
	[dreg:$0x0] =	wrdreg $0x0  }
0xa8: {  	s5 =	sshll.u32 s28, $0x1;
	[dreg:$0x2] =	wrdreg s3  }
0xa9: {  	[dreg:$0x3] =	wrdreg s5  }
0xaa: {  	[dreg:$0x4] =	wrdreg $0xC0  }
0xab: {  	_ =	task [dreg:s7], $0x5FFFF  }
0xac: {  	[dreg:$0x1] =	wrdreg $0xFFFFFFFF  }
0xad: {  	[dreg:$0x0] =	wrdreg $0x60  }
0xae: {  	[dreg:$0x2] =	wrdreg s24  }
0xaf: {  	[dreg:$0x3] =	wrdreg s2  }
0xb0: {  	[dreg:$0x4] =	wrdreg $0x9  }
0xb1: {  	_ =	task.clear_ibuf [dreg:s7], $0x5FFFF;
	_ =	strace $0x90000049  }
0xb2: {  	s29 =	simm.s32 $0x9;
	_ =	strace $0x8000004B  }
0xb3: {  	_ =	swait.ge [sflag:s29], $0x1  }
0xb4: {  	[sflag:s29] =	ssyncadd.s32 $0xFFFFFFFF  }
0xb5: {  	_ =	strace $0x9000004B  }
0xb6: {  	_ =	sfence  }
0xb7: {  	s30 =	sld [smem:$0x0];
	_ =	sdelay $0x2  }
0xb8: {  	s31 =	sshll.u32 s1, $0xD;
	s1 =	sshrl.u32 s1, $0x2  }
0xb9: {  	s3 =	sand.u32 $0x4000, s31;
	s1 =	sadd.s32 s1, s30  }
0xba: {  	s0 =	sor.u32 s3, s0;
	s1 =	sshll.u32 s1, $0x11  }
0xbb: {  	s0 =	sor.u32 s1, s0  }
0xbc: {  	s0 =	sadd.s32 $0x8F2B, s0  }
0xbd: {  	[sflag:s0] =	ssyncadd.remote.s32 $0x1  }
0xbe: {  	_ =	sfence.sel $0xFFFF  }
0xbf: {  	[dreg:$0x0] =	wrdreg $0xFFFFFFFF;
	(pc) =	sbr.abs _section_cstart, $3  }
0xc0: {  	[dreg:$0x1] =	wrdreg $0xFFFFFFFF  }
0xc1: {  	_ =	task.clear_ibuf [dreg:s7], $0x2FFFF;
	_ =	strace $0x9FFFFFFF  }
0xc2: {  	(tm) =	ssettm $0x7FFFFFFF  }
0xc3: {  	_ =	shalt  }
tec
execute0_lowered:
.L_overlay_start_1:
0x0: {  	(tag) =	ssettag $0x1  }
0x1: {  	s3 =	rddreg [dreg:$0x0]  }
0x2: {  	s0 =	rddreg [dreg:$0x1]  }
0x3: {  	s1 =	srdreg.scid;
	s2 =	stileid.u32;
	s4 =	simm.s32 $0x0  }
0x4: {  	s8 =	simm.s32 $0x1;
	[smem:$0x7FF] =	sst s4;
	s13 =	sadd.s32 $0x1400, s3  }
0x5: {  	s17 =	sadd.s32 $0x1500, s3;
	_ =	strace $0x8000004A;
	[dreg:$0x3] =	wrdreg s13  }
0x6: {  	s10 =	simm.s32 $0x0;
	s18 =	sadd.s32 $0x1600, s3;
	[dreg:$0x6] =	wrdreg s17  }
0x7: {  	s1 =	sand.u32 $0x1, s1;
	s19 =	sadd.s32 $0x1700, s3;
	[dreg:$0x7] =	wrdreg s18  }
0x8: {  	s2 =	sshll.u32 s2, $0x1;
	s20 =	sadd.s32 $0x1800, s3;
	[dreg:$0x8] =	wrdreg s19  }
0x9: {  	s21 =	sadd.s32 $0x1900, s3;
	s22 =	sadd.s32 $0x1A00, s3;
	[dreg:$0x9] =	wrdreg s20  }
0xa: {  	s23 =	sadd.s32 $0x1B00, s3;
	s24 =	sadd.s32 $0x1C00, s3;
	[dreg:$0xa] =	wrdreg s21  }
0xb: {  	s25 =	sadd.s32 $0x1D00, s3;
	s26 =	sadd.s32 $0x1E00, s3;
	[dreg:$0xb] =	wrdreg s22  }
0xc: {  	s28 =	sadd.s32 $0x2A00, s3;
	s29 =	sadd.s32 $0x2B00, s3;
	[dreg:$0xc] =	wrdreg s23  }
0xd: {  	s30 =	sadd.s32 $0x2C00, s3;
	s31 =	sadd.s32 $0x2D00, s3;
	[dreg:$0xd] =	wrdreg s24  }
0xe: {  	s2 =	sor.u32 s1, s2;
	s1 =	ssub.s32 $0x2, s1;
	[dreg:$0xe] =	wrdreg s25  }
0xf: {  	[dreg:$0xf] =	wrdreg s26;
	s17 =	sadd.s32 $0x2000, s3;
	s18 =	sadd.s32 $0x2100, s3  }
0x10: {  	s19 =	sadd.s32 $0x2200, s3;
	s20 =	sadd.s32 $0x2300, s3;
	s21 =	sadd.s32 $0x2400, s3  }
0x11: {  	s22 =	sadd.s32 $0x2500, s3;
	s23 =	sadd.s32 $0x2600, s3;
	s24 =	sadd.s32 $0x2700, s3  }
0x12: {  	s25 =	sadd.s32 $0x2800, s3;
	s26 =	sadd.s32 $0x2900, s3;
	s14 =	sshll.u32 s2, $0x5  }
0x13: {  	s5 =	sshll.u32 s2, $0xF;
	s15 =	sshrl.u32 s1, $0x1;
	s2 =	sshll.u32 s2, $0x6  }
0x14: {  	s4 =	sadd.s32 s14, s3;
	s6 =	sadd.s32 s5, s3;
	s7 =	ssub.s32 s1, s15  }
0x15: {  	s0 =	sadd.s32 s0, s2;
	s1 =	sadd.s32 $0x2F00, s3;
	s2 =	sadd.s32 $0x3000, s3  }
0x16: {  	s5 =	sadd.s32 $0x3200, s3;
	s16 =	sadd.s32 $0x801400, s4;
	[dreg:$0x5] =	wrdreg s0  }
0x17: {  	v0 =	vlaneseq.u32;
	s0 =	sadd.s32 $0x2E00, s3;
	s4 =	sadd.s32 $0x3100, s3;
	s6 =	sadd.s32 $0x801800, s6  }
0x18: {  	v1 =	vshrl.u32 v0, $0x3;
	s7 =	smax.u32 s7, $0x1;
	[dreg:$0x4] =	wrdreg s16;
	s16 =	sadd.s32 $0x1F00, s3  }
0x19: {  	vm0 =	vmmov $0xffff;
	v0 =	vand.u32 $0x7, v0;
	v1 =	vmul.u32 $0x8, v1;
	s3 =	sadd.s32 $0x3300, s3;
	[dreg:$0x10] =	wrdreg s7;
	s7 =	simm.s32 $0x2  }
.LBB2_1:
0x1a: {  	[dreg:$0x11] =	wrdreg s10  }
0x1b: {  	s9 =	simm.s32 $0x0;
	s14 =	rddreg [dreg:$0x4]  }
0x1c: {  	[tilespmem:s9], [sflag:$0x2] =	stream.linear.gather [hbm4b:s14+s9], $0x100, $0x38;
	[tilespmem:$0x12300] =	vst v63  }
0x1d: {  	_ =	swait.ge [sflag:s7], $0x100  }
0x1e: {  	[sflag:s7] =	ssyncset.done $0x0  }
0x1f: {  	s11 =	simm.s32 $0x100;
	s15 =	rddreg [dreg:$0x5];
	[sflag:s7] =	ssyncadd.s32 $0xFFFFFF00  }
0x20: {  	[tilespmem:s11], [sflag:$0x2] =	stream.linear.gather [hbm4b:s15+s9], $0x200, $0x38;
	[tilespmem:$0x12300] =	vst v63  }
0x21: {  	_ =	swait.ge [sflag:s7], $0x200  }
0x22: {  	[sflag:s7] =	ssyncset.done $0x0  }
0x23: {  	s9 =	simm.s32 $0x0;
	[sflag:s7] =	ssyncadd.s32 $0xFFFFFE00  }
.LBB2_2:
0x24: {  	s10 =	sshll.u32 s9, $0x3  }
0x25: {  	s10 =	sand.u32 $0x3FFFFFF8, s10  }
0x26: {  	v2 =	vld.msk [tilespmem:s10+$0x0], $0xff;
	_ =	sdelay $0x4  }
0x27: {  	v3 =	vshll.u32 v2, $0x6  }
0x28: {  	v2 =	vand.u32 $0x7, v2;
	v3 =	vand.u32 $0xFFFFFE00, v3  }
0x29: {  	v2 =	vor.u32 v2, v3  }
0x2a: {  	v2 =	vperm.xlane v2, v0;
	_ =	sdelay $0x1  }
0x2b: {  	v2 =	vadd.s32 v1, v2;
	_ =	sdelay $0x3  }
0x2c: {  	s11 =	simm.s32 $0x0;
	s15 =	rddreg [dreg:$0x3];
	s12 =	simm.s32 $0x300  }
0x2d: {  	[tilespmem:s12], [sflag:$0x1] =	stream.indirect_vreg.gather [hbm4b:s15+s11], $0x80, v2, vm0, $0xb8;
	[tilespmem:$0x12300] =	vst v63  }
0x2e: {  	s13 =	simm.s32 $0xB00;
	s12 =	rddreg [dreg:$0x6]  }
0x2f: {  	[tilespmem:s13], [sflag:$0x1] =	stream.indirect_vreg.gather [hbm4b:s12+s11], $0x80, v2, vm0, $0xb8;
	[tilespmem:$0x12300] =	vst v63  }
0x30: {  	s14 =	rddreg [dreg:$0x7];
	s15 =	simm.s32 $0x1300  }
0x31: {  	[tilespmem:s15], [sflag:$0x1] =	stream.indirect_vreg.gather [hbm4b:s14+s11], $0x80, v2, vm0, $0xb8;
	[tilespmem:$0x12300] =	vst v63  }
0x32: {  	s12 =	rddreg [dreg:$0x8];
	s13 =	simm.s32 $0x1B00  }
0x33: {  	[tilespmem:s13], [sflag:$0x1] =	stream.indirect_vreg.gather [hbm4b:s12+s11], $0x80, v2, vm0, $0xb8;
	[tilespmem:$0x12300] =	vst v63  }
0x34: {  	s14 =	rddreg [dreg:$0x9];
	s15 =	simm.s32 $0x2300  }
0x35: {  	[tilespmem:s15], [sflag:$0x1] =	stream.indirect_vreg.gather [hbm4b:s14+s11], $0x80, v2, vm0, $0xb8;
	[tilespmem:$0x12300] =	vst v63  }
0x36: {  	s12 =	rddreg [dreg:$0xa];
	s13 =	simm.s32 $0x2B00  }
0x37: {  	[tilespmem:s13], [sflag:$0x1] =	stream.indirect_vreg.gather [hbm4b:s12+s11], $0x80, v2, vm0, $0xb8;
	[tilespmem:$0x12300] =	vst v63  }
0x38: {  	s14 =	rddreg [dreg:$0xb];
	s15 =	simm.s32 $0x3300  }
0x39: {  	[tilespmem:s15], [sflag:$0x1] =	stream.indirect_vreg.gather [hbm4b:s14+s11], $0x80, v2, vm0, $0xb8;
	[tilespmem:$0x12300] =	vst v63  }
0x3a: {  	s12 =	rddreg [dreg:$0xc];
	s13 =	simm.s32 $0x3B00  }
0x3b: {  	[tilespmem:s13], [sflag:$0x1] =	stream.indirect_vreg.gather [hbm4b:s12+s11], $0x80, v2, vm0, $0xb8;
	[tilespmem:$0x12300] =	vst v63  }
0x3c: {  	s14 =	rddreg [dreg:$0xd];
	s15 =	simm.s32 $0x4300  }
0x3d: {  	[tilespmem:s15], [sflag:$0x1] =	stream.indirect_vreg.gather [hbm4b:s14+s11], $0x80, v2, vm0, $0xb8;
	[tilespmem:$0x12300] =	vst v63  }
0x3e: {  	s12 =	rddreg [dreg:$0xe];
	s13 =	simm.s32 $0x4B00  }
0x3f: {  	[tilespmem:s13], [sflag:$0x1] =	stream.indirect_vreg.gather [hbm4b:s12+s11], $0x80, v2, vm0, $0xb8;
	[tilespmem:$0x12300] =	vst v63  }
0x40: {  	s14 =	rddreg [dreg:$0xf];
	s15 =	simm.s32 $0x5300  }
0x41: {  	[tilespmem:s15], [sflag:$0x1] =	stream.indirect_vreg.gather [hbm4b:s14+s11], $0x80, v2, vm0, $0xb8;
	[tilespmem:$0x12300] =	vst v63  }
0x42: {  	s13 =	simm.s32 $0x5B00  }
0x43: {  	[tilespmem:s13], [sflag:$0x1] =	stream.indirect_vreg.gather [hbm4b:s16+s11], $0x80, v2, vm0, $0xb8;
	[tilespmem:$0x12300] =	vst v63  }
0x44: {  	s14 =	simm.s32 $0x6300  }
0x45: {  	[tilespmem:s14], [sflag:$0x1] =	stream.indirect_vreg.gather [hbm4b:s17+s11], $0x80, v2, vm0, $0xb8;
	[tilespmem:$0x12300] =	vst v63  }
0x46: {  	s15 =	simm.s32 $0x6B00  }
0x47: {  	[tilespmem:s15], [sflag:$0x1] =	stream.indirect_vreg.gather [hbm4b:s18+s11], $0x80, v2, vm0, $0xb8;
	[tilespmem:$0x12300] =	vst v63  }
0x48: {  	s12 =	simm.s32 $0x7300  }
0x49: {  	[tilespmem:s12], [sflag:$0x1] =	stream.indirect_vreg.gather [hbm4b:s19+s11], $0x80, v2, vm0, $0xb8;
	[tilespmem:$0x12300] =	vst v63  }
0x4a: {  	s13 =	simm.s32 $0x7B00  }
0x4b: {  	[tilespmem:s13], [sflag:$0x1] =	stream.indirect_vreg.gather [hbm4b:s20+s11], $0x80, v2, vm0, $0xb8;
	[tilespmem:$0x12300] =	vst v63  }
0x4c: {  	s14 =	simm.s32 $0x8300  }
0x4d: {  	[tilespmem:s14], [sflag:$0x1] =	stream.indirect_vreg.gather [hbm4b:s21+s11], $0x80, v2, vm0, $0xb8;
	[tilespmem:$0x12300] =	vst v63  }
0x4e: {  	s15 =	simm.s32 $0x8B00  }
0x4f: {  	[tilespmem:s15], [sflag:$0x1] =	stream.indirect_vreg.gather [hbm4b:s22+s11], $0x80, v2, vm0, $0xb8;
	[tilespmem:$0x12300] =	vst v63  }
0x50: {  	s12 =	simm.s32 $0x9300  }
0x51: {  	[tilespmem:s12], [sflag:$0x1] =	stream.indirect_vreg.gather [hbm4b:s23+s11], $0x80, v2, vm0, $0xb8;
	[tilespmem:$0x12300] =	vst v63  }
0x52: {  	s13 =	simm.s32 $0x9B00  }
0x53: {  	[tilespmem:s13], [sflag:$0x1] =	stream.indirect_vreg.gather [hbm4b:s24+s11], $0x80, v2, vm0, $0xb8;
	[tilespmem:$0x12300] =	vst v63  }
0x54: {  	s14 =	simm.s32 $0xA300  }
0x55: {  	[tilespmem:s14], [sflag:$0x1] =	stream.indirect_vreg.gather [hbm4b:s25+s11], $0x80, v2, vm0, $0xb8;
	[tilespmem:$0x12300] =	vst v63  }
0x56: {  	s15 =	simm.s32 $0xAB00  }
0x57: {  	[tilespmem:s15], [sflag:$0x1] =	stream.indirect_vreg.gather [hbm4b:s26+s11], $0x80, v2, vm0, $0xb8;
	[tilespmem:$0x12300] =	vst v63  }
0x58: {  	s12 =	simm.s32 $0xB300  }
0x59: {  	[tilespmem:s12], [sflag:$0x1] =	stream.indirect_vreg.gather [hbm4b:s28+s11], $0x80, v2, vm0, $0xb8;
	[tilespmem:$0x12300] =	vst v63  }
0x5a: {  	s13 =	simm.s32 $0xBB00  }
0x5b: {  	[tilespmem:s13], [sflag:$0x1] =	stream.indirect_vreg.gather [hbm4b:s29+s11], $0x80, v2, vm0, $0xb8;
	[tilespmem:$0x12300] =	vst v63  }
0x5c: {  	s14 =	simm.s32 $0xC300  }
0x5d: {  	[tilespmem:s14], [sflag:$0x1] =	stream.indirect_vreg.gather [hbm4b:s30+s11], $0x80, v2, vm0, $0xb8;
	[tilespmem:$0x12300] =	vst v63  }
0x5e: {  	s15 =	simm.s32 $0xCB00  }
0x5f: {  	[tilespmem:s15], [sflag:$0x1] =	stream.indirect_vreg.gather [hbm4b:s31+s11], $0x80, v2, vm0, $0xb8;
	[tilespmem:$0x12300] =	vst v63  }
0x60: {  	s12 =	simm.s32 $0xD300  }
0x61: {  	[tilespmem:s12], [sflag:$0x1] =	stream.indirect_vreg.gather [hbm4b:s0+s11], $0x80, v2, vm0, $0xb8;
	[tilespmem:$0x12300] =	vst v63  }
0x62: {  	s13 =	simm.s32 $0xDB00  }
0x63: {  	[tilespmem:s13], [sflag:$0x1] =	stream.indirect_vreg.gather [hbm4b:s1+s11], $0x80, v2, vm0, $0xb8;
	[tilespmem:$0x12300] =	vst v63  }
0x64: {  	s14 =	simm.s32 $0xE300  }
0x65: {  	[tilespmem:s14], [sflag:$0x1] =	stream.indirect_vreg.gather [hbm4b:s2+s11], $0x80, v2, vm0, $0xb8;
	[tilespmem:$0x12300] =	vst v63  }
0x66: {  	s15 =	simm.s32 $0xEB00  }
0x67: {  	[tilespmem:s15], [sflag:$0x1] =	stream.indirect_vreg.gather [hbm4b:s4+s11], $0x80, v2, vm0, $0xb8;
	[tilespmem:$0x12300] =	vst v63  }
0x68: {  	s12 =	simm.s32 $0xF300  }
0x69: {  	[tilespmem:s12], [sflag:$0x1] =	stream.indirect_vreg.gather [hbm4b:s5+s11], $0x80, v2, vm0, $0xb8;
	[tilespmem:$0x12300] =	vst v63  }
0x6a: {  	s13 =	simm.s32 $0xFB00  }
0x6b: {  	[tilespmem:s13], [sflag:$0x1] =	stream.indirect_vreg.gather [hbm4b:s3+s11], $0x80, v2, vm0, $0xb8;
	[tilespmem:$0x12300] =	vst v63  }
0x6c: {  	s10 =	sshll.u32 s9, $0x4;
	_ =	swait.ge [sflag:s8], $0x10000  }
0x6d: {  	s14 =	sand.u32 $0x3FFFFFF0, s10;
	[sflag:s8] =	ssyncset.done $0x0  }
0x6e: {  	s13 =	sand.u32 $0x70, s11;
	s11 =	sand.u32 $0xFC00, s11;
	[sflag:s8] =	ssyncadd.s32 $0xFFFF0000  }
0x6f: {  	s11 =	sor.u32 s13, s11;
	v9 =	vld [tilespmem:s14+$0x100]  }
0x70: {  	v5 =	vld [tilespmem:s11+$0x300]  }
0x71: {  	v6 =	vld [tilespmem:s11+$0x380];
	_ =	sdelay $0x1  }
0x72: {  	v7 =	vld [tilespmem:s11+$0x400]  }
0x73: {  	v3 =	vbroadcast v9, $0x0;
	v4 =	vbroadcast v9, $0x1  }
0x74: {  	v8 =	vld [tilespmem:s11+$0x480];
	v2 =	vbroadcast v9, $0x2  }
0x75: {  	v10 =	vmul.f32 v5, v3;
	v6 =	vmul.f32 v6, v4  }
0x76: {  	v11 =	vld [tilespmem:s11+$0x500]  }
0x77: {  	v5 =	vbroadcast v9, $0x3;
	v7 =	vmul.f32 v7, v2;
	v10 =	vadd.f32 v6, v10  }
0x78: {  	v12 =	vld [tilespmem:s11+$0x580]  }
0x79: {  	v6 =	vbroadcast v9, $0x4;
	v8 =	vmul.f32 v8, v5;
	v10 =	vadd.f32 v7, v10  }
0x7a: {  	v13 =	vld [tilespmem:s11+$0x600]  }
0x7b: {  	v7 =	vbroadcast v9, $0x5;
	v11 =	vmul.f32 v11, v6;
	v10 =	vadd.f32 v8, v10  }
0x7c: {  	v14 =	vld [tilespmem:s11+$0x680]  }
0x7d: {  	v8 =	vbroadcast v9, $0x6;
	v10 =	vadd.f32 v11, v10;
	v11 =	vmul.f32 v12, v7;
	_ =	sdelay $0x1  }
0x7e: {  	v9 =	vbroadcast v9, $0x7;
	v10 =	vadd.f32 v11, v10;
	v11 =	vmul.f32 v13, v8;
	_ =	sdelay $0x1  }
0x7f: {  	v10 =	vadd.f32 v11, v10;
	v11 =	vmul.f32 v14, v9;
	_ =	sdelay $0x1  }
0x80: {  	s15 =	simm.s32 $0x10;
	s12 =	simm.s32 $0x80;
	v10 =	vadd.f32 v11, v10  }
0x81: {  	s13 =	sand.u32 $0x70, s15;
	s11 =	simm.s32 $0x10300;
	s14 =	sand.u32 $0xFC00, s12  }
0x82: {  	s14 =	sor.u32 s13, s14;
	s13 =	simm.s32 $0x20;
	[tilespmem:s11+$0x0] =	vst v10  }
.LBB2_3:
0x83: {  	p0 =	sne.s32 s13, $0x1FF0;
	v10 =	vld [tilespmem:s14+$0x300]  }
0x84: {  	v11 =	vld [tilespmem:s14+$0x380];
	_ =	sdelay $0x1  }
0x85: {  	v12 =	vld [tilespmem:s14+$0x400];
	_ =	sdelay $0x1  }
0x86: {  	v13 =	vld [tilespmem:s14+$0x480]  }
0x87: {  	v10 =	vmul.f32 v10, v3;
	v11 =	vmul.f32 v11, v4  }
0x88: {  	v14 =	vld [tilespmem:s14+$0x500]  }
0x89: {  	v10 =	vadd.f32 v11, v10;
	v11 =	vmul.f32 v12, v2  }
0x8a: {  	v12 =	vld [tilespmem:s14+$0x580]  }
0x8b: {  	v10 =	vadd.f32 v11, v10;
	v11 =	vmul.f32 v13, v5  }
0x8c: {  	v13 =	vld [tilespmem:s14+$0x600]  }
0x8d: {  	v10 =	vadd.f32 v11, v10;
	v11 =	vmul.f32 v14, v6  }
0x8e: {  	v14 =	vld [tilespmem:s14+$0x680]  }
0x8f: {  	v10 =	vadd.f32 v11, v10;
	v11 =	vmul.f32 v12, v7;
	_ =	sdelay $0x1  }
0x90: {  	v10 =	vadd.f32 v11, v10;
	v11 =	vmul.f32 v13, v8;
	_ =	sdelay $0x1  }
.Ltmp0:
0x91: {  	v10 =	vadd.f32 v11, v10;
	v11 =	vmul.f32 v14, v9;
	(pc) =	sbr.rel @p0 .LBB2_3-.Ltmp0, $4  }
0x92: {  	_ = 	snop  }
0x93: {  	s12 =	sadd.s32 $0x80, s12;
	v10 =	vadd.f32 v11, v10  }
0x94: {  	s11 =	sadd.s32 $0x10, s11;
	s15 =	sand.u32 $0xFC00, s12;
	s14 =	sand.u32 $0x70, s13  }
0x95: {  	s13 =	sadd.s32 $0x10, s13;
	s14 =	sor.u32 s14, s15;
	[tilespmem:s11+$0x0] =	vst v10  }
0x96: {  	v10 =	vld [tilespmem:s14+$0x300]  }
0x97: {  	v11 =	vld [tilespmem:s14+$0x380];
	_ =	sdelay $0x1  }
0x98: {  	v12 =	vld [tilespmem:s14+$0x400];
	_ =	sdelay $0x1  }
0x99: {  	v13 =	vld [tilespmem:s14+$0x480]  }
0x9a: {  	v3 =	vmul.f32 v10, v3;
	v4 =	vmul.f32 v11, v4  }
0x9b: {  	v60 =	vld [tilespmem:s14+$0x500]  }
0x9c: {  	v2 =	vmul.f32 v12, v2;
	v3 =	vadd.f32 v4, v3  }
0x9d: {  	v61 =	vld [tilespmem:s14+$0x580]  }
0x9e: {  	v2 =	vadd.f32 v2, v3;
	v3 =	vmul.f32 v13, v5  }
0x9f: {  	v62 =	vld [tilespmem:s14+$0x600]  }
0xa0: {  	v2 =	vadd.f32 v3, v2;
	v3 =	vmul.f32 v60, v6  }
0xa1: {  	v63 =	vld [tilespmem:s14+$0x680]  }
0xa2: {  	v2 =	vadd.f32 v3, v2;
	v3 =	vmul.f32 v61, v7;
	_ =	sdelay $0x1  }
0xa3: {  	v2 =	vadd.f32 v3, v2;
	v3 =	vmul.f32 v62, v8;
	_ =	sdelay $0x1  }
0xa4: {  	v2 =	vadd.f32 v3, v2;
	v3 =	vmul.f32 v63, v9  }
0xa5: {  	s12 =	sshll.u32 s9, $0xA;
	s11 =	sadd.s32 $0x10, s11;
	s10 =	sand.u32 $0x70, s10  }
0xa6: {  	s14 =	simm.s32 $0x80;
	s9 =	sadd.s32 $0x1, s9;
	s12 =	sand.u32 $0x6000, s12;
	v2 =	vadd.f32 v3, v2  }
0xa7: {  	s15 =	simm.s32 $0x400;
	p0 =	sne.s32 s9, $0x20;
	s12 =	sadd.s32 s12, s6  }
.Ltmp1:
0xa8: {  	s13 =	simm.s32 $0x10300;
	s10 =	sadd.s32 s10, s12;
	[tilespmem:s11+$0x0] =	vst v2;
	(pc) =	sbr.rel @p0 .LBB2_2-.Ltmp1, $4  }
0xa9: {  	[hbm4b:s10+s14] =	stream.strided.scatter [tilespmem:s13], [sflag:$0x2], $0x2000, s15, s14, $0x38;
	[tilespmem:$0x12300] =	vst v63  }
0xaa: {  	_ =	swait.ge [sflag:s7], $0x2000  }
0xab: {  	[sflag:s7] =	ssyncset.done $0x0  }
0xac: {  	[sflag:s7] =	ssyncadd.s32 $0xFFFFE000  }
0xad: {  	s10 =	rddreg [dreg:$0x11]  }
0xae: {  	s9 =	rddreg [dreg:$0x10];
	s10 =	sadd.s32 $0x1, s10  }
0xaf: {  	p0 =	sne.s32 s10, s9  }
.Ltmp2:
0xb0: {  	_ = 	snop;
	(pc) =	sbr.rel @p0 .LBB2_1-.Ltmp2, $1  }
0xb1: {  	_ =	sdelay $0x3  }
0xb2: {  	_ =	sfence.sel $0x180000  }
0xb3: {  	[bflag:$0x0] =	sbarrier.arrive $0xFFFF  }
0xb4: {  	_ =	strace $0x9000004A  }
0xb5: {  	s0 =	stileid.u32;
	[bflag:$0x2] =	sbarrier.arrive $0xFFFF  }
0xb6: {  	p0 =	sne.s32 s0, $0x0;
	s0 =	rddreg [dreg:$0x2]  }
0xb7: {  	s0 =	sadd.s32 @!p0 $0x100000, s0  }
0xb8: {  	[sflag:s0] =	ssyncadd.tile.s32 @!p0 $0x1;
	_ =	shalt  }
.Lfunc_end2:
_tile_overlayer_lowered:
.L_overlay_start_2:
0xb9: {  	(tag) =	ssettag $0x2  }
0xba: {  	s0 =	rddreg [dreg:$0x0];
	s2 =	stileid.u32  }
0xbb: {  	s1 =	rddreg [dreg:$0x1];
	p0 =	sne.s32 s2, $0x0  }
0xbc: {  	s3 =	rddreg [dreg:$0x2];
	[bflag:$0x3] =	sbarrier.arrive $0xFFFF;
	s2 =	simm.s32 @!p0 $0x1C02  }
0xbd: {  	[timem:s3], [sflag:s2] =	dma.local @!p0 [hbm:s0], s1  }
0xbe: {  	s0 =	simm.s32 @!p0 $0x2  }
0xbf: {  	_ =	swait.ge @!p0 [sflag:s0], s1  }
0xc0: {  	s1 =	ssub.s32 @!p0 $0x0, s1;
	[sflag:s0] =	ssyncset.done @!p0 $0x0  }
0xc1: {  	[sflag:s0] =	ssyncadd.s32 @!p0 s1  }
0xc2: {  	[bflag:$0x3] =	sbarrier.arrive $0xFFFF  }
0xc3: {  	_ =	shalt  }

// kernel: sparse-core-data-format-call.1.cloned.1.call-start
scs
called_computation.1_lowered:
.L_overlay_start_0:
0x0: {  	s2 =	sld [smem:$0x3FD9]  }
0x1: {  	s3 =	sld [smem:$0x3FFE];
	_ =	sdelay $0x1  }
0x2: {  	s1 =	srdreg.scid  }
0x3: {  	s0 =	sand.u32 $0x1, s1  }
0x4: {  	s18 =	sshll.u32 s0, $0xA;
	s2 =	sadd.s32 s3, s2  }
0x5: {  	s2 =	sadd.s32 s2, s18  }
0x6: {  	[smem:$0x3FC4] =	sst s2  }
0x7: {  	_ = 	snop  }
0x8: {  	s2 =	sld [smem:$0x3FC7];
	(tm) =	ssettm $0x1  }
0x9: {  	s19 =	sld [smem:$0x3FFB];
	_ =	sdelay $0x3  }
0xa: {  	_ =	strace s19  }
0xb: {  	s3 =	sld [smem:$0x3FFC];
	_ =	sdelay $0x3  }
0xc: {  	_ =	strace s3  }
0xd: {  	s3 =	sld [smem:$0x3FFD];
	_ =	sdelay $0x3  }
0xe: {  	_ =	strace s3  }
0xf: {  	_ =	strace $0x8FFFFFFF  }
0x10: {  	s20 =	sld [smem:$0x3FDB];
	_ =	sdelay $0x1  }
0x11: {  	s4 =	simm.s32 $_scs_section_size  }
0x12: {  	s5 =	simm.s32 $_size__tile_overlayer_lowered;
	s6 =	simm.s32 $_tile_overlayer_lowered  }
0x13: {  	s23 =	simm.s32 $0x1BFF;
	s22 =	sshll.u32 s6, $0x1;
	s3 =	sadd.s32 s4, s20  }
0x14: {  	s7 =	simm.s32 $0x0;
	s21 =	sshll.u32 s5, $0x1;
	s5 =	sadd.s32 s22, s3  }
0x15: {  	[timem:s7], [sflag:s23] =	dma.local [hbm:s5], s21  }
0x16: {  	_ =	swait.ge [sflag:s23], s21  }
0x17: {  	s4 =	ssub.s32 $0x0, s21;
	[sflag:s23] =	ssyncset.done $0x0  }
0x18: {  	[sflag:s23] =	ssyncadd.s32 s4;
	_ =	sdelay $0x1  }
0x19: {  	s24 =	simm.s32 $0x1B8B  }
0x1a: {  	_ =	swait.ge [sflag:s24], $0x1  }
0x1b: {  	[sflag:s24] =	ssyncset.done $0x0  }
0x1c: {  	s26 =	simm.s32 $0x1B8E;
	s25 =	sld [smem:$0x3FFE];
	[sflag:s24] =	ssyncadd.s32 $0xFFFFFFFF  }
0x1d: {  	s27 =	simm.s32 $execute0_lowered;
	[smem:$0x3FD2] =	sst s26  }
0x1e: {  	s5 =	sshll.u32 s27, $0x1;
	_ =	strace $0x80000046;
	[dreg:$0x1] =	wrdreg $0xFFFFFFFF  }
0x1f: {  	s28 =	simm.s32 $_size_execute0_lowered;
	s3 =	sadd.s32 s3, s5;
	[dreg:$0x0] =	wrdreg $0x0  }
0x20: {  	s5 =	sshll.u32 s28, $0x1;
	[dreg:$0x2] =	wrdreg s3  }
0x21: {  	[dreg:$0x3] =	wrdreg s5  }
0x22: {  	[dreg:$0x4] =	wrdreg $0xC0  }
0x23: {  	_ =	task [dreg:s7], $0x5FFFF  }
0x24: {  	[dreg:$0x1] =	wrdreg $0xFFFFFFFF  }
0x25: {  	[dreg:$0x0] =	wrdreg $0x60  }
0x26: {  	[dreg:$0x2] =	wrdreg s2  }
0x27: {  	[dreg:$0x3] =	wrdreg s25  }
0x28: {  	[dreg:$0x4] =	wrdreg $0x9  }
0x29: {  	_ =	task.clear_ibuf [dreg:s7], $0x5FFFF;
	_ =	strace $0x90000046  }
0x2a: {  	s29 =	simm.s32 $0x9;
	_ =	strace $0x80000048  }
0x2b: {  	_ =	swait.ge [sflag:s29], $0x1  }
0x2c: {  	[sflag:s29] =	ssyncadd.s32 $0xFFFFFFFF  }
0x2d: {  	_ =	strace $0x90000048  }
0x2e: {  	_ =	sfence  }
0x2f: {  	s30 =	sld [smem:$0x0];
	_ =	sdelay $0x2  }
0x30: {  	s31 =	sshll.u32 s1, $0xD;
	s1 =	sshrl.u32 s1, $0x2  }
0x31: {  	s3 =	sand.u32 $0x4000, s31;
	s1 =	sadd.s32 s1, s30  }
0x32: {  	s0 =	sor.u32 s3, s0;
	s1 =	sshll.u32 s1, $0x11  }
0x33: {  	s0 =	sor.u32 s1, s0  }
0x34: {  	s0 =	sadd.s32 $0x8F2B, s0  }
0x35: {  	[sflag:s0] =	ssyncadd.remote.s32 $0x1  }
0x36: {  	_ =	sfence.sel $0xFFFF  }
0x37: {  	[dreg:$0x0] =	wrdreg $0xFFFFFFFF;
	(pc) =	sbr.abs _section_cstart, $3  }
0x38: {  	[dreg:$0x1] =	wrdreg $0xFFFFFFFF  }
0x39: {  	_ =	task.clear_ibuf [dreg:s7], $0x2FFFF;
	_ =	strace $0x9FFFFFFF  }
0x3a: {  	(tm) =	ssettm $0x7FFFFFFF  }
0x3b: {  	_ =	shalt  }
tec
execute0_lowered:
.L_overlay_start_1:
0x0: {  	(tag) =	ssettag $0x1  }
0x1: {  	s2 =	rddreg [dreg:$0x0]  }
0x2: {  	s1 =	rddreg [dreg:$0x1]  }
0x3: {  	s0 =	rddreg [dreg:$0x2]  }
0x4: {  	_ =	strace $0x80000047;
	s4 =	srdreg.scid;
	s6 =	simm.s32 $0x2  }
0x5: {  	s12 =	simm.s32 $0x0;
	p0 =	por $0x0, $0x0;
	s13 =	simm.s32 $0x0  }
0x6: {  	s15 =	simm.s32 $0x0;
	s14 =	simm.s32 $0x0;
	s8 =	simm.s32 $0x0  }
.Ltmp0:
0x7: {  	s9 =	simm.s32 $0x0;
	s10 =	simm.s32 $0x0;
	(pc) =	sbr.rel .LBB1_1-.Ltmp0, $4  }
0x8: {  	s7 =	simm.s32 $0x0;
	s3 =	sadd.s32 $0x1400, s1;
	s5 =	sshll.u32 s4, $0x4  }
0x9: {  	s1 =	stileid.u32;
	s4 =	simm.s32 $0x1;
	s5 =	sand.u32 $0x10, s5  }
0xa: {  	s21 =	simm.s32 $0x0;
	[sflag:s4] =	ssyncpa.u1 $0x0;
	s5 =	sor.u32 s1, s5  }
0xb: {  	[sflag:s6] =	ssyncpa.u1 $0x0;
	s6 =	simm.s32 $0x2000;
	s11 =	smov.u32 s5  }
.LBB1_7:
0xc: {  	s16 =	sadd.s32 $0x100, s8  }
0xd: {  	s12 =	sadd.s32 $0x8, s9;
	s17 =	smov.u32 s9;
	p2 =	sgt.s32 s16, $0x3FF  }
0xe: {  	s17 =	smov.u32 @p2 s12  }
0xf: {  	s18 =	smov.u32 s10;
	s12 =	sadd.s32 $0x8, s10;
	p3 =	sgt.s32 s17, $0x7  }
0x10: {  	s18 =	smov.u32 @p3 s12  }
0x11: {  	s19 =	smov.u32 s11;
	s12 =	sadd.s32 $0x20, s11;
	p4 =	sgt.s32 s18, $0x7  }
0x12: {  	p1 =	slt.u32 s7, $0x2;
	s19 =	smov.u32 @p4 s12  }
0x13: {  	s7 =	sadd.s32 $0x1, s7;
	s16 =	simm.s32 @p2 $0x0;
	p2 =	sgt.s32 s19, $0x3FF  }
0x14: {  	s20 =	simm.s32 @!p1 $0x2;
	s19 =	smov.u32 @p2 s5;
	p2 =	sne.s32 s7, $0x82  }
.Ltmp1:
0x15: {  	s13 =	smov.u32 s9;
	_ =	swait.ge @!p1 [sflag:s20], $0x4000;
	(pc) =	sbr.rel @!p2 .LBB1_8-.Ltmp1, $4  }
0x16: {  	s15 =	smov.u32 s10;
	s14 =	smov.u32 s11;
	[sflag:s20] =	ssyncset.done @!p1 $0x0  }
0x17: {  	p0 =	por !p0, !p0;
	s17 =	simm.s32 @p3 $0x0;
	[sflag:s20] =	ssyncadd.s32 @!p1 $0xFFFFC000  }
0x18: {  	s9 =	smov.u32 s17;
	s18 =	simm.s32 @p4 $0x0;
	s12 =	smov.u32 s8  }
0x19: {  	s8 =	smov.u32 s16;
	s10 =	smov.u32 s18;
	s11 =	smov.u32 s19  }
.LBB1_1:
0x1a: {  	p1 =	sgt.u32 s7, $0x7F  }
0x1b: {  	s16 =	sxor.u32 @!p1 $0xFFFFFFFF, s7  }
0x1c: {  	s17 =	sshll.u32 @!p1 s9, $0x7;
	s18 =	sand.u32 @!p1 $0x78, s8;
	s19 =	sshll.u32 @!p1 s11, $0xD  }
0x1d: {  	s20 =	sand.u32 @!p1 $0x380, s8;
	s16 =	sshll.u32 @!p1 s16, $0xE;
	s17 =	sand.u32 @!p1 $0x380, s17  }
0x1e: {  	s19 =	sadd.s32 @!p1 s2, s19;
	s17 =	sor.u32 @!p1 s18, s17;
	s18 =	sshll.u32 @!p1 s10, $0xA  }
0x1f: {  	s16 =	sand.u32 @!p1 $0x4000, s16;
	s18 =	sadd.s32 @!p1 s18, s19;
	s19 =	sand.u32 @!p1 $0x7, s8  }
0x20: {  	s17 =	sshrl.u32 @!p1 s17, $0x3;
	s18 =	sadd.s32 @!p1 s20, s18;
	s19 =	sshll.u32 @!p1 s19, $0x12  }
0x21: {  	s17 =	sadd.s32 @!p1 s17, s18;
	s18 =	sor.u32 @!p1 $0x800, s19;
	s19 =	simm.s32 @!p1 $0x2000  }
0x22: {  	[tilespmem:s16], [sflag:$0x1] =	stream.strided.gather @!p1 [hbm4b:s17+s18], $0x4000, s19, s18, $0x38;
	[tilespmem:$0x10000] =	vst v63  }
0x23: {  	p1 =	seq.s32 s7, $0x0  }
0x24: {  	p2 =	seq.s32 @!p1 s7, $0x81  }
0x25: {  	p1 =	por p1, p2  }
.Ltmp2:
0x26: {  	_ = 	snop;
	(pc) =	sbr.rel @p1 .LBB1_7-.Ltmp2, $1  }
0x27: {  	_ =	sdelay $0x3  }
0x28: {  	s16 =	simm.s32 $0x1  }
0x29: {  	_ =	swait.ge [sflag:s4], $0x4000;
	s31 =	sshll.u32 s7, $0xE;
	p1 =	por $0x0, $0x0  }
0x2a: {  	s22 =	simm.s32 $0x0;
	s23 =	simm.s32 $0x0;
	s16 =	simm.s32 @!p0 $0x0  }
0x2b: {  	[sflag:s4] =	ssyncset.done $0x0;
	s19 =	sand.u32 $0x4000, s31;
	s16 =	sshll.u32 s16, $0x10  }
0x2c: {  	[sflag:s4] =	ssyncadd.s32 $0xFFFFC000;
	s20 =	sshrl.u32 s16, $0x2;
	s16 =	sor.u32 $0x8000, s19  }
0x2d: {  	s17 =	sor.u32 $0x40, s20;
	s18 =	sor.u32 $0x8410, s20;
	s20 =	sadd.s32 $0x8400, s20  }
.LBB1_3:
0x2e: {  	v1 =	vld [tilespmem:s17+$0xFFFFFFD0]  }
0x2f: {  	v2 =	vld [tilespmem:s17+$0x430]  }
0x30: {  	s24 =	sshll.u32 s23, $0xB;
	v4 =	vld [tilespmem:s17+$0xFFFFFFE0]  }
0x31: {  	v7 =	vld [tilespmem:s17+$0xFFFFFFF0];
	v0 =	vmov s24  }
0x32: {  	v8 =	vld [tilespmem:s17+$0x0]  }
0x33: {  	s30 =	sand.u32 $0x300, s21;
	v9 =	vld [tilespmem:s17+$0x10]  }
0x34: {  	s25 =	sand.u32 $0x80, s21;
	v10 =	vld [tilespmem:s17+$0x20];
	s24 =	sadd.s32 s30, s19  }
0x35: {  	v11 =	vld [tilespmem:s17+$0x30];
	s24 =	sadd.s32 s25, s24;
	s25 =	simm.s32 $0x1;
	[tilespmem:s18+$0x60] =	vst v2  }
0x36: {  	s31 =	sshll.u32 s22, $0x2;
	s25 =	simm.s32 @!p1 $0x0;
	[tilespmem:s18+$0xFFFFFC00] =	vst v1;
	v3 =	vld.idx.msk [tilespmem:v0+s24+$0x400 ss:$0x1], $0xffff  }
0x37: {  	v6 =	vld [tilespmem:s17+$0x3D0];
	s25 =	sshll.u32 s25, $0x9;
	[tilespmem:s18+$0xFFFFFC10] =	vst v4;
	s24 =	sand.u32 $0xFFFFFC00, s31  }
0x38: {  	v5 =	vld [tilespmem:s17+$0x3E0];
	[tilespmem:s18+$0xFFFFFC20] =	vst v7;
	s24 =	sor.u32 s25, s24  }
0x39: {  	[tilespmem:s18+$0xFFFFFC30] =	vst v8;
	v4 =	vld [tilespmem:s17+$0x400];
	s24 =	sshrl.u32 s24, $0x2  }
0x3a: {  	[tilespmem:s18+$0xFFFFFC40] =	vst v9;
	v1 =	vld [tilespmem:s17+$0x410];
	s24 =	sadd.s32 s24, s20  }
0x3b: {  	[tilespmem:s24+$0x0] =	vst v3;
	v3 =	vld [tilespmem:s17+$0x3F0]  }
0x3c: {  	s28 =	simm.s32 $0x80;
	s27 =	simm.s32 $0x100;
	[tilespmem:s18+$0xFFFFFC50] =	vst v10;
	v2 =	vld [tilespmem:s17+$0x420]  }
0x3d: {  	s26 =	smov.u32 s18;
	s29 =	sand.u32 $0x300, s28;
	v7 =	vld [tilespmem:s17+$0xFFFFFFC0];
	[tilespmem:s18+$0xFFFFFC60] =	vst v11;
	s25 =	sadd.s32 $0x80, s17  }
.LBB1_4:
0x3e: {  	p2 =	sne.s32 s27, $0x380;
	v8 =	vld [tilespmem:s25+$0xFFFFFFD0];
	s28 =	sand.u32 $0x80, s28;
	s29 =	sadd.s32 s29, s19;
	[tilespmem:s26+$0x0] =	vst v6  }
0x3f: {  	s29 =	sadd.s32 s28, s29;
	v6 =	vld [tilespmem:s25+$0x430];
	[tilespmem:s26+$0x10] =	vst v5;
	s28 =	smov.u32 s27  }
0x40: {  	v5 =	vld.idx.msk [tilespmem:v0+s29+$0x400 ss:$0x1], $0xffff;
	[tilespmem:s26+$0x20] =	vst v3  }
0x41: {  	v3 =	vld [tilespmem:s25+$0xFFFFFFE0];
	[tilespmem:s26+$0x30] =	vst v4  }
0x42: {  	v4 =	vld [tilespmem:s25+$0xFFFFFFF0];
	[tilespmem:s26+$0xFFFFFBF0] =	vst v7  }
0x43: {  	v7 =	vld [tilespmem:s25+$0x0];
	[tilespmem:s26+$0x40] =	vst v1  }
0x44: {  	v1 =	vld [tilespmem:s25+$0x10];
	[tilespmem:s26+$0x50] =	vst v2;
	s26 =	sadd.s32 $0x800, s26  }
0x45: {  	s24 =	sadd.s32 $0x800, s24;
	v2 =	vld [tilespmem:s25+$0x20];
	[tilespmem:s26+$0x60] =	vst v6  }
0x46: {  	v9 =	vld [tilespmem:s25+$0x30];
	[tilespmem:s24+$0x0] =	vst v5  }
0x47: {  	[tilespmem:s26+$0xFFFFFC00] =	vst v8;
	v6 =	vld [tilespmem:s25+$0x3D0]  }
0x48: {  	[tilespmem:s26+$0xFFFFFC10] =	vst v3;
	v5 =	vld [tilespmem:s25+$0x3E0]  }
.Ltmp3:
0x49: {  	[tilespmem:s26+$0xFFFFFC20] =	vst v4;
	v3 =	vld [tilespmem:s25+$0x3F0];
	(pc) =	sbr.rel @p2 .LBB1_4-.Ltmp3, $4  }
0x4a: {  	[tilespmem:s26+$0xFFFFFC30] =	vst v7;
	v4 =	vld [tilespmem:s25+$0x400]  }
0x4b: {  	[tilespmem:s26+$0xFFFFFC40] =	vst v1;
	v1 =	vld [tilespmem:s25+$0x410]  }
0x4c: {  	[tilespmem:s26+$0xFFFFFC50] =	vst v2;
	v2 =	vld [tilespmem:s25+$0x420]  }
0x4d: {  	s27 =	sadd.s32 $0x80, s27;
	s29 =	sand.u32 $0x300, s28;
	v7 =	vld [tilespmem:s25+$0xFFFFFFC0];
	[tilespmem:s26+$0xFFFFFC60] =	vst v9;
	s25 =	sadd.s32 $0x80, s25  }
0x4e: {  	[tilespmem:s26+$0x0] =	vst v6  }
0x4f: {  	[tilespmem:s26+$0x10] =	vst v5  }
0x50: {  	v49 =	vld [tilespmem:s25+$0x430];
	[tilespmem:s26+$0x20] =	vst v3  }
0x51: {  	v50 =	vld [tilespmem:s25+$0xFFFFFFD0];
	[tilespmem:s26+$0x30] =	vst v4  }
0x52: {  	v51 =	vld [tilespmem:s25+$0xFFFFFFE0];
	[tilespmem:s26+$0x40] =	vst v1  }
0x53: {  	v52 =	vld [tilespmem:s25+$0xFFFFFFF0];
	[tilespmem:s26+$0x50] =	vst v2  }
0x54: {  	s31 =	sadd.s32 $0x800, s26;
	v53 =	vld [tilespmem:s25+$0x0];
	[tilespmem:s26+$0xFFFFFBF0] =	vst v7  }
0x55: {  	v54 =	vld [tilespmem:s25+$0x10];
	[tilespmem:s31+$0x60] =	vst v49  }
0x56: {  	v55 =	vld [tilespmem:s25+$0x20];
	[tilespmem:s31+$0xFFFFFC00] =	vst v50  }
0x57: {  	v56 =	vld [tilespmem:s25+$0x30];
	[tilespmem:s31+$0xFFFFFC10] =	vst v51  }
0x58: {  	v57 =	vld [tilespmem:s25+$0x3D0];
	[tilespmem:s31+$0xFFFFFC20] =	vst v52  }
0x59: {  	v58 =	vld [tilespmem:s25+$0x3E0];
	[tilespmem:s31+$0xFFFFFC30] =	vst v53  }
0x5a: {  	v59 =	vld [tilespmem:s25+$0x3F0];
	[tilespmem:s31+$0xFFFFFC40] =	vst v54  }
0x5b: {  	v60 =	vld [tilespmem:s25+$0x400];
	[tilespmem:s31+$0xFFFFFC50] =	vst v55  }
0x5c: {  	v61 =	vld [tilespmem:s25+$0xFFFFFFC0];
	[tilespmem:s31+$0xFFFFFC60] =	vst v56  }
0x5d: {  	s27 =	sand.u32 $0x80, s28;
	s30 =	sadd.s32 s29, s19;
	v62 =	vld [tilespmem:s25+$0x410];
	[tilespmem:s31+$0x0] =	vst v57  }
0x5e: {  	v63 =	vld [tilespmem:s25+$0x420];
	s23 =	sadd.s32 $0x1, s23;
	s27 =	sadd.s32 s27, s30;
	[tilespmem:s31+$0x10] =	vst v58  }
0x5f: {  	p2 =	sne.s32 s23, $0x8;
	v0 =	vld.idx.msk [tilespmem:v0+s27+$0x400 ss:$0x1], $0xffff;
	[tilespmem:s31+$0x20] =	vst v59  }
.Ltmp4:
0x60: {  	[tilespmem:s31+$0x30] =	vst v60;
	(pc) =	sbr.rel @p2 .LBB1_3-.Ltmp4, $4  }
0x61: {  	[tilespmem:s31+$0xFFFFFBF0] =	vst v61  }
0x62: {  	[tilespmem:s31+$0x40] =	vst v62  }
0x63: {  	s24 =	sadd.s32 $0x800, s24;
	s17 =	sadd.s32 $0x800, s17;
	[tilespmem:s31+$0x50] =	vst v63  }
0x64: {  	s22 =	sadd.s32 $0x80, s22;
	p1 =	por !p1, !p1;
	s18 =	sadd.s32 $0x80, s18;
	[tilespmem:s24+$0x0] =	vst v0  }
0x65: {  	s15 =	sshll.u32 s15, $0x7;
	s17 =	sand.u32 $0x78, s12  }
0x66: {  	s14 =	sshll.u32 s14, $0xD;
	s13 =	sshll.u32 s13, $0xA;
	s29 =	sand.u32 $0x380, s12  }
.Ltmp5:
0x67: {  	s15 =	sand.u32 $0x380, s15;
	s14 =	sadd.s32 s3, s14;
	(pc) =	sbr.rel .LBB1_7-.Ltmp5, $4  }
0x68: {  	s30 =	sand.u32 $0x7, s12;
	s15 =	sor.u32 s15, s17;
	s13 =	sadd.s32 s13, s14  }
0x69: {  	s12 =	sshll.u32 s30, $0x12;
	s31 =	sshrl.u32 s15, $0x3;
	s13 =	sadd.s32 s29, s13  }
0x6a: {  	s12 =	sor.u32 $0x800, s12;
	s13 =	sadd.s32 s31, s13  }
0x6b: {  	[hbm4b:s13+s12] =	stream.strided.scatter [tilespmem:s16], [sflag:$0x2], $0x4000, s6, s12, $0x38;
	[tilespmem:$0x10000] =	vst v63  }
.LBB1_8:
0x6c: {  	_ =	sfence.sel $0x180000  }
0x6d: {  	s2 =	simm.s32 $0x1;
	[bflag:$0x0] =	sbarrier.arrive $0xFFFF  }
0x6e: {  	s31 =	simm.s32 $0x2;
	[sflag:s2] =	ssyncpa.u1 $0x1  }
0x6f: {  	[sflag:s31] =	ssyncpa.u1 $0x1  }
0x70: {  	p0 =	sne.s32 s1, $0x0;
	_ =	strace $0x90000047  }
0x71: {  	s0 =	sadd.s32 @!p0 $0x100000, s0;
	[bflag:$0x2] =	sbarrier.arrive $0xFFFF  }
0x72: {  	[sflag:s0] =	ssyncadd.tile.s32 @!p0 $0x1;
	_ =	shalt  }
.Lfunc_end1:
_tile_overlayer_lowered:
.L_overlay_start_2:
0x73: {  	(tag) =	ssettag $0x2  }
0x74: {  	s0 =	rddreg [dreg:$0x0];
	s2 =	stileid.u32  }
0x75: {  	s1 =	rddreg [dreg:$0x1];
	p0 =	sne.s32 s2, $0x0  }
0x76: {  	s3 =	rddreg [dreg:$0x2];
	[bflag:$0x3] =	sbarrier.arrive $0xFFFF;
	s2 =	simm.s32 @!p0 $0x1C01  }
0x77: {  	[timem:s3], [sflag:s2] =	dma.local @!p0 [hbm:s0], s1  }
0x78: {  	s0 =	simm.s32 @!p0 $0x1  }
0x79: {  	_ =	swait.ge @!p0 [sflag:s0], s1  }
0x7a: {  	s1 =	ssub.s32 @!p0 $0x0, s1;
	[sflag:s0] =	ssyncset.done @!p0 $0x0  }
0x7b: {  	[sflag:s0] =	ssyncadd.s32 @!p0 s1  }
0x7c: {  	[bflag:$0x3] =	sbarrier.arrive $0xFFFF  }
0x7d: {  	_ =	shalt  }

// kernel: sparse-core-data-format-call.cloned.1.call-start
scs
called_computation_lowered:
.L_overlay_start_0:
0x0: {  	s2 =	sld [smem:$0x3FD9]  }
0x1: {  	s3 =	sld [smem:$0x3FFE];
	_ =	sdelay $0x1  }
0x2: {  	s1 =	srdreg.scid  }
0x3: {  	s0 =	sand.u32 $0x1, s1  }
0x4: {  	s18 =	sshll.u32 s0, $0xA;
	s2 =	sadd.s32 s3, s2  }
0x5: {  	s2 =	sadd.s32 s2, s18  }
0x6: {  	[smem:$0x3FC4] =	sst s2  }
0x7: {  	_ = 	snop  }
0x8: {  	s2 =	sld [smem:$0x3FD0];
	(tm) =	ssettm $0x1  }
0x9: {  	s19 =	sld [smem:$0x3FFB];
	_ =	sdelay $0x3  }
0xa: {  	_ =	strace s19  }
0xb: {  	s3 =	sld [smem:$0x3FFC];
	_ =	sdelay $0x3  }
0xc: {  	_ =	strace s3  }
0xd: {  	s3 =	sld [smem:$0x3FFD];
	_ =	sdelay $0x3  }
0xe: {  	_ =	strace s3  }
0xf: {  	_ =	strace $0x8FFFFFFF  }
0x10: {  	s20 =	sld [smem:$0x3FDB];
	_ =	sdelay $0x1  }
0x11: {  	s4 =	simm.s32 $_scs_section_size  }
0x12: {  	s5 =	simm.s32 $_size__tile_overlayer_lowered;
	s6 =	simm.s32 $_tile_overlayer_lowered  }
0x13: {  	s23 =	simm.s32 $0x1BFF;
	s22 =	sshll.u32 s6, $0x1;
	s3 =	sadd.s32 s4, s20  }
0x14: {  	s7 =	simm.s32 $0x0;
	s21 =	sshll.u32 s5, $0x1;
	s5 =	sadd.s32 s22, s3  }
0x15: {  	[timem:s7], [sflag:s23] =	dma.local [hbm:s5], s21  }
0x16: {  	_ =	swait.ge [sflag:s23], s21  }
0x17: {  	s4 =	ssub.s32 $0x0, s21;
	[sflag:s23] =	ssyncset.done $0x0  }
0x18: {  	[sflag:s23] =	ssyncadd.s32 s4;
	_ =	sdelay $0x1  }
0x19: {  	s24 =	simm.s32 $0x1B8B  }
0x1a: {  	_ =	swait.ge [sflag:s24], $0x1  }
0x1b: {  	[sflag:s24] =	ssyncset.done $0x0  }
0x1c: {  	s26 =	simm.s32 $0x1B8E;
	s25 =	sld [smem:$0x3FFE];
	[sflag:s24] =	ssyncadd.s32 $0xFFFFFFFF  }
0x1d: {  	s27 =	simm.s32 $execute0_lowered;
	[smem:$0x3FD2] =	sst s26  }
0x1e: {  	s5 =	sshll.u32 s27, $0x1;
	_ =	strace $0x8000004C;
	[dreg:$0x1] =	wrdreg $0xFFFFFFFF  }
0x1f: {  	s28 =	simm.s32 $_size_execute0_lowered;
	s3 =	sadd.s32 s3, s5;
	[dreg:$0x0] =	wrdreg $0x0  }
0x20: {  	s5 =	sshll.u32 s28, $0x1;
	[dreg:$0x2] =	wrdreg s3  }
0x21: {  	[dreg:$0x3] =	wrdreg s5  }
0x22: {  	[dreg:$0x4] =	wrdreg $0xC0  }
0x23: {  	_ =	task [dreg:s7], $0x5FFFF  }
0x24: {  	[dreg:$0x1] =	wrdreg $0xFFFFFFFF  }
0x25: {  	[dreg:$0x0] =	wrdreg $0x60  }
0x26: {  	[dreg:$0x2] =	wrdreg s25  }
0x27: {  	[dreg:$0x3] =	wrdreg s2  }
0x28: {  	[dreg:$0x4] =	wrdreg $0x9  }
0x29: {  	_ =	task.clear_ibuf [dreg:s7], $0x5FFFF;
	_ =	strace $0x9000004C  }
0x2a: {  	s29 =	simm.s32 $0x9;
	_ =	strace $0x8000004E  }
0x2b: {  	_ =	swait.ge [sflag:s29], $0x1  }
0x2c: {  	[sflag:s29] =	ssyncadd.s32 $0xFFFFFFFF  }
0x2d: {  	_ =	strace $0x9000004E  }
0x2e: {  	_ =	sfence  }
0x2f: {  	s30 =	sld [smem:$0x0];
	_ =	sdelay $0x2  }
0x30: {  	s31 =	sshll.u32 s1, $0xD;
	s1 =	sshrl.u32 s1, $0x2  }
0x31: {  	s3 =	sand.u32 $0x4000, s31;
	s1 =	sadd.s32 s1, s30  }
0x32: {  	s0 =	sor.u32 s3, s0;
	s1 =	sshll.u32 s1, $0x11  }
0x33: {  	s0 =	sor.u32 s1, s0  }
0x34: {  	s0 =	sadd.s32 $0x8F2B, s0  }
0x35: {  	[sflag:s0] =	ssyncadd.remote.s32 $0x1  }
0x36: {  	_ =	sfence.sel $0xFFFF  }
0x37: {  	[dreg:$0x0] =	wrdreg $0xFFFFFFFF;
	(pc) =	sbr.abs _section_cstart, $3  }
0x38: {  	[dreg:$0x1] =	wrdreg $0xFFFFFFFF  }
0x39: {  	_ =	task.clear_ibuf [dreg:s7], $0x2FFFF;
	_ =	strace $0x9FFFFFFF  }
0x3a: {  	(tm) =	ssettm $0x7FFFFFFF  }
0x3b: {  	_ =	shalt  }
tec
execute0_lowered:
.L_overlay_start_1:
0x0: {  	(tag) =	ssettag $0x1  }
0x1: {  	s1 =	rddreg [dreg:$0x0]  }
0x2: {  	s2 =	rddreg [dreg:$0x1]  }
0x3: {  	s0 =	rddreg [dreg:$0x2]  }
0x4: {  	_ =	strace $0x8000004D;
	s4 =	srdreg.scid;
	s6 =	simm.s32 $0x2  }
0x5: {  	s12 =	simm.s32 $0x0;
	p0 =	por $0x0, $0x0;
	s13 =	simm.s32 $0x0  }
0x6: {  	s15 =	simm.s32 $0x0;
	s14 =	simm.s32 $0x0;
	s8 =	simm.s32 $0x0  }
.Ltmp0:
0x7: {  	s9 =	simm.s32 $0x0;
	s10 =	simm.s32 $0x0;
	(pc) =	sbr.rel .LBB1_1-.Ltmp0, $4  }
0x8: {  	s7 =	simm.s32 $0x0;
	s3 =	sadd.s32 $0x801800, s1;
	s5 =	sshll.u32 s4, $0x4  }
0x9: {  	s1 =	stileid.u32;
	s4 =	simm.s32 $0x1;
	s5 =	sand.u32 $0x10, s5  }
0xa: {  	s21 =	simm.s32 $0x0;
	[sflag:s4] =	ssyncpa.u1 $0x0;
	s5 =	sor.u32 s1, s5  }
0xb: {  	[sflag:s6] =	ssyncpa.u1 $0x0;
	s6 =	simm.s32 $0x2000;
	s11 =	smov.u32 s5  }
.LBB1_7:
0xc: {  	s16 =	sadd.s32 $0x100, s8  }
0xd: {  	s12 =	sadd.s32 $0x8, s9;
	s17 =	smov.u32 s9;
	p2 =	sgt.s32 s16, $0x3FF  }
0xe: {  	s17 =	smov.u32 @p2 s12  }
0xf: {  	s18 =	smov.u32 s10;
	s12 =	sadd.s32 $0x8, s10;
	p3 =	sgt.s32 s17, $0x7  }
0x10: {  	s18 =	smov.u32 @p3 s12  }
0x11: {  	s19 =	smov.u32 s11;
	s12 =	sadd.s32 $0x20, s11;
	p4 =	sgt.s32 s18, $0x7  }
0x12: {  	p1 =	slt.u32 s7, $0x2;
	s19 =	smov.u32 @p4 s12  }
0x13: {  	s7 =	sadd.s32 $0x1, s7;
	s16 =	simm.s32 @p2 $0x0;
	p2 =	sgt.s32 s19, $0x7F  }
0x14: {  	s20 =	simm.s32 @!p1 $0x2;
	s19 =	smov.u32 @p2 s5;
	p2 =	sne.s32 s7, $0x12  }
.Ltmp1:
0x15: {  	s13 =	smov.u32 s9;
	_ =	swait.ge @!p1 [sflag:s20], $0x4000;
	(pc) =	sbr.rel @!p2 .LBB1_8-.Ltmp1, $4  }
0x16: {  	s15 =	smov.u32 s10;
	s14 =	smov.u32 s11;
	[sflag:s20] =	ssyncset.done @!p1 $0x0  }
0x17: {  	p0 =	por !p0, !p0;
	s17 =	simm.s32 @p3 $0x0;
	[sflag:s20] =	ssyncadd.s32 @!p1 $0xFFFFC000  }
0x18: {  	s9 =	smov.u32 s17;
	s18 =	simm.s32 @p4 $0x0;
	s12 =	smov.u32 s8  }
0x19: {  	s8 =	smov.u32 s16;
	s10 =	smov.u32 s18;
	s11 =	smov.u32 s19  }
.LBB1_1:
0x1a: {  	p1 =	sgt.u32 s7, $0xF  }
0x1b: {  	s16 =	sxor.u32 @!p1 $0xFFFFFFFF, s7  }
0x1c: {  	s17 =	sshll.u32 @!p1 s9, $0x7;
	s18 =	sand.u32 @!p1 $0x78, s8;
	s19 =	sshll.u32 @!p1 s11, $0xD  }
0x1d: {  	s20 =	sand.u32 @!p1 $0x380, s8;
	s16 =	sshll.u32 @!p1 s16, $0xE;
	s17 =	sand.u32 @!p1 $0x380, s17  }
0x1e: {  	s19 =	sadd.s32 @!p1 s3, s19;
	s17 =	sor.u32 @!p1 s18, s17;
	s18 =	sshll.u32 @!p1 s10, $0xA  }
0x1f: {  	s16 =	sand.u32 @!p1 $0x4000, s16;
	s18 =	sadd.s32 @!p1 s18, s19;
	s19 =	sand.u32 @!p1 $0x7, s8  }
0x20: {  	s17 =	sshrl.u32 @!p1 s17, $0x3;
	s18 =	sadd.s32 @!p1 s20, s18;
	s19 =	sshll.u32 @!p1 s19, $0x12  }
0x21: {  	s17 =	sadd.s32 @!p1 s17, s18;
	s18 =	sor.u32 @!p1 $0x800, s19;
	s19 =	simm.s32 @!p1 $0x2000  }
0x22: {  	[tilespmem:s16], [sflag:$0x1] =	stream.strided.gather @!p1 [hbm4b:s17+s18], $0x4000, s19, s18, $0x38;
	[tilespmem:$0x10000] =	vst v63  }
0x23: {  	p1 =	seq.s32 s7, $0x0  }
0x24: {  	p2 =	seq.s32 @!p1 s7, $0x11  }
0x25: {  	p1 =	por p1, p2  }
.Ltmp2:
0x26: {  	_ = 	snop;
	(pc) =	sbr.rel @p1 .LBB1_7-.Ltmp2, $1  }
0x27: {  	_ =	sdelay $0x3  }
0x28: {  	s16 =	simm.s32 $0x1  }
0x29: {  	_ =	swait.ge [sflag:s4], $0x4000;
	s31 =	sshll.u32 s7, $0xE;
	p1 =	por $0x0, $0x0  }
0x2a: {  	s22 =	simm.s32 $0x0;
	s23 =	simm.s32 $0x0;
	s16 =	simm.s32 @!p0 $0x0  }
0x2b: {  	[sflag:s4] =	ssyncset.done $0x0;
	s19 =	sand.u32 $0x4000, s31;
	s16 =	sshll.u32 s16, $0x10  }
0x2c: {  	[sflag:s4] =	ssyncadd.s32 $0xFFFFC000;
	s20 =	sshrl.u32 s16, $0x2;
	s16 =	sor.u32 $0x8000, s19  }
0x2d: {  	s17 =	sor.u32 $0x40, s20;
	s18 =	sor.u32 $0x8410, s20;
	s20 =	sadd.s32 $0x8400, s20  }
.LBB1_3:
0x2e: {  	v1 =	vld [tilespmem:s17+$0xFFFFFFD0]  }
0x2f: {  	v2 =	vld [tilespmem:s17+$0x430]  }
0x30: {  	s24 =	sshll.u32 s23, $0xB;
	v4 =	vld [tilespmem:s17+$0xFFFFFFE0]  }
0x31: {  	v7 =	vld [tilespmem:s17+$0xFFFFFFF0];
	v0 =	vmov s24  }
0x32: {  	v8 =	vld [tilespmem:s17+$0x0]  }
0x33: {  	s30 =	sand.u32 $0x300, s21;
	v9 =	vld [tilespmem:s17+$0x10]  }
0x34: {  	s25 =	sand.u32 $0x80, s21;
	v10 =	vld [tilespmem:s17+$0x20];
	s24 =	sadd.s32 s30, s19  }
0x35: {  	v11 =	vld [tilespmem:s17+$0x30];
	s24 =	sadd.s32 s25, s24;
	s25 =	simm.s32 $0x1;
	[tilespmem:s18+$0x60] =	vst v2  }
0x36: {  	s31 =	sshll.u32 s22, $0x2;
	s25 =	simm.s32 @!p1 $0x0;
	[tilespmem:s18+$0xFFFFFC00] =	vst v1;
	v3 =	vld.idx.msk [tilespmem:v0+s24+$0x400 ss:$0x1], $0xffff  }
0x37: {  	v6 =	vld [tilespmem:s17+$0x3D0];
	s25 =	sshll.u32 s25, $0x9;
	[tilespmem:s18+$0xFFFFFC10] =	vst v4;
	s24 =	sand.u32 $0xFFFFFC00, s31  }
0x38: {  	v5 =	vld [tilespmem:s17+$0x3E0];
	[tilespmem:s18+$0xFFFFFC20] =	vst v7;
	s24 =	sor.u32 s25, s24  }
0x39: {  	[tilespmem:s18+$0xFFFFFC30] =	vst v8;
	v4 =	vld [tilespmem:s17+$0x400];
	s24 =	sshrl.u32 s24, $0x2  }
0x3a: {  	[tilespmem:s18+$0xFFFFFC40] =	vst v9;
	v1 =	vld [tilespmem:s17+$0x410];
	s24 =	sadd.s32 s24, s20  }
0x3b: {  	[tilespmem:s24+$0x0] =	vst v3;
	v3 =	vld [tilespmem:s17+$0x3F0]  }
0x3c: {  	s28 =	simm.s32 $0x80;
	s27 =	simm.s32 $0x100;
	[tilespmem:s18+$0xFFFFFC50] =	vst v10;
	v2 =	vld [tilespmem:s17+$0x420]  }
0x3d: {  	s26 =	smov.u32 s18;
	s29 =	sand.u32 $0x300, s28;
	v7 =	vld [tilespmem:s17+$0xFFFFFFC0];
	[tilespmem:s18+$0xFFFFFC60] =	vst v11;
	s25 =	sadd.s32 $0x80, s17  }
.LBB1_4:
0x3e: {  	p2 =	sne.s32 s27, $0x380;
	v8 =	vld [tilespmem:s25+$0xFFFFFFD0];
	s28 =	sand.u32 $0x80, s28;
	s29 =	sadd.s32 s29, s19;
	[tilespmem:s26+$0x0] =	vst v6  }
0x3f: {  	s29 =	sadd.s32 s28, s29;
	v6 =	vld [tilespmem:s25+$0x430];
	[tilespmem:s26+$0x10] =	vst v5;
	s28 =	smov.u32 s27  }
0x40: {  	v5 =	vld.idx.msk [tilespmem:v0+s29+$0x400 ss:$0x1], $0xffff;
	[tilespmem:s26+$0x20] =	vst v3  }
0x41: {  	v3 =	vld [tilespmem:s25+$0xFFFFFFE0];
	[tilespmem:s26+$0x30] =	vst v4  }
0x42: {  	v4 =	vld [tilespmem:s25+$0xFFFFFFF0];
	[tilespmem:s26+$0xFFFFFBF0] =	vst v7  }
0x43: {  	v7 =	vld [tilespmem:s25+$0x0];
	[tilespmem:s26+$0x40] =	vst v1  }
0x44: {  	v1 =	vld [tilespmem:s25+$0x10];
	[tilespmem:s26+$0x50] =	vst v2;
	s26 =	sadd.s32 $0x800, s26  }
0x45: {  	s24 =	sadd.s32 $0x800, s24;
	v2 =	vld [tilespmem:s25+$0x20];
	[tilespmem:s26+$0x60] =	vst v6  }
0x46: {  	v9 =	vld [tilespmem:s25+$0x30];
	[tilespmem:s24+$0x0] =	vst v5  }
0x47: {  	[tilespmem:s26+$0xFFFFFC00] =	vst v8;
	v6 =	vld [tilespmem:s25+$0x3D0]  }
0x48: {  	[tilespmem:s26+$0xFFFFFC10] =	vst v3;
	v5 =	vld [tilespmem:s25+$0x3E0]  }
.Ltmp3:
0x49: {  	[tilespmem:s26+$0xFFFFFC20] =	vst v4;
	v3 =	vld [tilespmem:s25+$0x3F0];
	(pc) =	sbr.rel @p2 .LBB1_4-.Ltmp3, $4  }
0x4a: {  	[tilespmem:s26+$0xFFFFFC30] =	vst v7;
	v4 =	vld [tilespmem:s25+$0x400]  }
0x4b: {  	[tilespmem:s26+$0xFFFFFC40] =	vst v1;
	v1 =	vld [tilespmem:s25+$0x410]  }
0x4c: {  	[tilespmem:s26+$0xFFFFFC50] =	vst v2;
	v2 =	vld [tilespmem:s25+$0x420]  }
0x4d: {  	s27 =	sadd.s32 $0x80, s27;
	s29 =	sand.u32 $0x300, s28;
	v7 =	vld [tilespmem:s25+$0xFFFFFFC0];
	[tilespmem:s26+$0xFFFFFC60] =	vst v9;
	s25 =	sadd.s32 $0x80, s25  }
0x4e: {  	[tilespmem:s26+$0x0] =	vst v6  }
0x4f: {  	[tilespmem:s26+$0x10] =	vst v5  }
0x50: {  	v49 =	vld [tilespmem:s25+$0x430];
	[tilespmem:s26+$0x20] =	vst v3  }
0x51: {  	v50 =	vld [tilespmem:s25+$0xFFFFFFD0];
	[tilespmem:s26+$0x30] =	vst v4  }
0x52: {  	v51 =	vld [tilespmem:s25+$0xFFFFFFE0];
	[tilespmem:s26+$0x40] =	vst v1  }
0x53: {  	v52 =	vld [tilespmem:s25+$0xFFFFFFF0];
	[tilespmem:s26+$0x50] =	vst v2  }
0x54: {  	s31 =	sadd.s32 $0x800, s26;
	v53 =	vld [tilespmem:s25+$0x0];
	[tilespmem:s26+$0xFFFFFBF0] =	vst v7  }
0x55: {  	v54 =	vld [tilespmem:s25+$0x10];
	[tilespmem:s31+$0x60] =	vst v49  }
0x56: {  	v55 =	vld [tilespmem:s25+$0x20];
	[tilespmem:s31+$0xFFFFFC00] =	vst v50  }
0x57: {  	v56 =	vld [tilespmem:s25+$0x30];
	[tilespmem:s31+$0xFFFFFC10] =	vst v51  }
0x58: {  	v57 =	vld [tilespmem:s25+$0x3D0];
	[tilespmem:s31+$0xFFFFFC20] =	vst v52  }
0x59: {  	v58 =	vld [tilespmem:s25+$0x3E0];
	[tilespmem:s31+$0xFFFFFC30] =	vst v53  }
0x5a: {  	v59 =	vld [tilespmem:s25+$0x3F0];
	[tilespmem:s31+$0xFFFFFC40] =	vst v54  }
0x5b: {  	v60 =	vld [tilespmem:s25+$0x400];
	[tilespmem:s31+$0xFFFFFC50] =	vst v55  }
0x5c: {  	v61 =	vld [tilespmem:s25+$0xFFFFFFC0];
	[tilespmem:s31+$0xFFFFFC60] =	vst v56  }
0x5d: {  	s27 =	sand.u32 $0x80, s28;
	s30 =	sadd.s32 s29, s19;
	v62 =	vld [tilespmem:s25+$0x410];
	[tilespmem:s31+$0x0] =	vst v57  }
0x5e: {  	v63 =	vld [tilespmem:s25+$0x420];
	s23 =	sadd.s32 $0x1, s23;
	s27 =	sadd.s32 s27, s30;
	[tilespmem:s31+$0x10] =	vst v58  }
0x5f: {  	p2 =	sne.s32 s23, $0x8;
	v0 =	vld.idx.msk [tilespmem:v0+s27+$0x400 ss:$0x1], $0xffff;
	[tilespmem:s31+$0x20] =	vst v59  }
.Ltmp4:
0x60: {  	[tilespmem:s31+$0x30] =	vst v60;
	(pc) =	sbr.rel @p2 .LBB1_3-.Ltmp4, $4  }
0x61: {  	[tilespmem:s31+$0xFFFFFBF0] =	vst v61  }
0x62: {  	[tilespmem:s31+$0x40] =	vst v62  }
0x63: {  	s24 =	sadd.s32 $0x800, s24;
	s17 =	sadd.s32 $0x800, s17;
	[tilespmem:s31+$0x50] =	vst v63  }
0x64: {  	s22 =	sadd.s32 $0x80, s22;
	p1 =	por !p1, !p1;
	s18 =	sadd.s32 $0x80, s18;
	[tilespmem:s24+$0x0] =	vst v0  }
0x65: {  	s15 =	sshll.u32 s15, $0x7;
	s17 =	sand.u32 $0x78, s12  }
0x66: {  	s14 =	sshll.u32 s14, $0xD;
	s13 =	sshll.u32 s13, $0xA;
	s29 =	sand.u32 $0x380, s12  }
.Ltmp5:
0x67: {  	s15 =	sand.u32 $0x380, s15;
	s14 =	sadd.s32 s2, s14;
	(pc) =	sbr.rel .LBB1_7-.Ltmp5, $4  }
0x68: {  	s30 =	sand.u32 $0x7, s12;
	s15 =	sor.u32 s15, s17;
	s13 =	sadd.s32 s13, s14  }
0x69: {  	s12 =	sshll.u32 s30, $0x12;
	s31 =	sshrl.u32 s15, $0x3;
	s13 =	sadd.s32 s29, s13  }
0x6a: {  	s12 =	sor.u32 $0x800, s12;
	s13 =	sadd.s32 s31, s13  }
0x6b: {  	[hbm4b:s13+s12] =	stream.strided.scatter [tilespmem:s16], [sflag:$0x2], $0x4000, s6, s12, $0x38;
	[tilespmem:$0x10000] =	vst v63  }
.LBB1_8:
0x6c: {  	_ =	sfence.sel $0x180000  }
0x6d: {  	s2 =	simm.s32 $0x1;
	[bflag:$0x0] =	sbarrier.arrive $0xFFFF  }
0x6e: {  	s31 =	simm.s32 $0x2;
	[sflag:s2] =	ssyncpa.u1 $0x1  }
0x6f: {  	[sflag:s31] =	ssyncpa.u1 $0x1  }
0x70: {  	p0 =	sne.s32 s1, $0x0;
	_ =	strace $0x9000004D  }
0x71: {  	s0 =	sadd.s32 @!p0 $0x100000, s0;
	[bflag:$0x2] =	sbarrier.arrive $0xFFFF  }
0x72: {  	[sflag:s0] =	ssyncadd.tile.s32 @!p0 $0x1;
	_ =	shalt  }
.Lfunc_end1:
_tile_overlayer_lowered:
.L_overlay_start_2:
0x73: {  	(tag) =	ssettag $0x2  }
0x74: {  	s0 =	rddreg [dreg:$0x0];
	s2 =	stileid.u32  }
0x75: {  	s1 =	rddreg [dreg:$0x1];
	p0 =	sne.s32 s2, $0x0  }
0x76: {  	s3 =	rddreg [dreg:$0x2];
	[bflag:$0x3] =	sbarrier.arrive $0xFFFF;
	s2 =	simm.s32 @!p0 $0x1C01  }
0x77: {  	[timem:s3], [sflag:s2] =	dma.local @!p0 [hbm:s0], s1  }
0x78: {  	s0 =	simm.s32 @!p0 $0x1  }
0x79: {  	_ =	swait.ge @!p0 [sflag:s0], s1  }
0x7a: {  	s1 =	ssub.s32 @!p0 $0x0, s1;
	[sflag:s0] =	ssyncset.done @!p0 $0x0  }
0x7b: {  	[sflag:s0] =	ssyncadd.s32 @!p0 s1  }
0x7c: {  	[bflag:$0x3] =	sbarrier.arrive $0xFFFF  }
0x7d: {  	_ =	shalt  }

</sc_bundles>
